<compile_context>
chip_gen: v7x
topology: tpu7x:2x2x1
jax: 0.10.2.dev20260603
libtpu: 0.0.44.dev20260713+nightly
codegen_flags: <defaults>
</compile_context>

<pallas_src>
import functools

import jax
import jax.numpy as jnp
from jax import lax
from jax.experimental import pallas as pl
from jax.experimental.pallas import tpu as pltpu
from jax.experimental.pallas import tpu_sc as plsc

_NC = 2
_NS = 16
_NW = _NC * _NS
_C = 8
_LANES = 16


def kernel(x, token_table, pos_table):
    B, S = x.shape
    V, D = token_table.shape
    N = B * S
    pos_per_w = S // _NW
    npc = pos_per_w // _C
    nchunks = npc * B

    xi = x.astype(jnp.int32)
    mesh = plsc.VectorSubcoreMesh(
        core_axis_name="c", subcore_axis_name="s",
        num_cores=_NC, num_subcores=_NS,
    )

    @functools.partial(
        pl.kernel,
        out_type=jax.ShapeDtypeStruct((N, D), jnp.float32),
        mesh=mesh,
        scratch_types=[
            pltpu.VMEM((B, pos_per_w), jnp.int32),
            [pltpu.VMEM((_C, D), jnp.float32) for _ in range(B)],
            [pltpu.VMEM((_C, D), jnp.float32) for _ in range(2)],
            [pltpu.SemaphoreType.DMA for _ in range(B)],
            [pltpu.SemaphoreType.DMA for _ in range(B)],
            [pltpu.SemaphoreType.DMA for _ in range(2)],
        ],
    )
    def k(x_hbm, tok_hbm, pos_hbm, out_hbm, idx_v, tb, pb, gsem, osem,
          psem):
        wid = lax.axis_index("s") * _NC + lax.axis_index("c")
        pos0 = wid * pos_per_w

        def gather(pcn, bn):
            pltpu.async_copy(
                tok_hbm.at[idx_v.at[bn, pl.ds(pcn * _C, _C)]],
                tb[bn], gsem[bn])

        def pos_fetch(pcn, u):
            pltpu.async_copy(
                pos_hbm.at[pl.ds(pos0 + pcn * _C, _C)], pb[u], psem[u])

        for b in range(B):
            pltpu.sync_copy(x_hbm.at[b, pl.ds(pos0, pos_per_w)],
                            idx_v.at[b])
        pos_fetch(0, 0)
        pos_fetch(1, 1)
        gather(0, 0)
        gather(0, 1)

        def pc2_body(pc2, carry):
            for u in range(2):
                pc = pc2 * 2 + u
                pltpu.make_async_copy(
                    pos_hbm.at[pl.ds(0, _C)], pb[u], psem[u]).wait()
                for bp in range(0, B, 2):
                    i = pc * B + bp
                    for b in (bp, bp + 1):
                        pltpu.make_async_copy(
                            tok_hbm.at[idx_v.at[0, pl.ds(0, _C)]], tb[b],
                            gsem[b]).wait()

                    @pl.when(i >= 2)
                    def _drain_out_i2():
                        for d in (2, 3):
                            pltpu.make_async_copy(
                                tb[(bp + d) % B], out_hbm.at[pl.ds(0, _C)],
                                osem[(bp + d) % B]).wait()

                    for d in (2, 3):
                        bn = (bp + d) % B
                        pcn = pc + (bp + d) // B

                        @pl.when(pcn < npc)
                        def _fire_next():
                            gather(pcn, bn)

                    def row(r, c2):
                        @plsc.parallel_loop(0, D, _LANES, unroll=8)
                        def _cb(c):
                            sl = pl.ds(c, _LANES)
                            pv = pb[u][r, sl]
                            plsc.addupdate(tb[bp].at[r, sl], pv)
                            plsc.addupdate(tb[bp + 1].at[r, sl], pv)
                        return c2

                    lax.fori_loop(0, _C, row, 0)
                    for b in (bp, bp + 1):
                        pltpu.async_copy(
                            tb[b],
                            out_hbm.at[pl.ds(b * S + pos0 + pc * _C, _C)],
                            osem[b])

                @pl.when(pc + 2 < npc)
                def _fire_next_pos():
                    pos_fetch(pc + 2, u)
            return carry

        lax.fori_loop(0, npc // 2, pc2_body, 0)
        for b in (2, 3):
            pltpu.make_async_copy(
                tb[b], out_hbm.at[pl.ds(0, _C)], osem[b]).wait()

    out = k(xi, token_table, pos_table)
    return out.reshape(B, S, D)

# --- scband reference (transcript-rebuilt; emitter-appended) ---
"""Pipeline reference for scband-combine-embedding-68788196212742 (READ-ONLY COPY).

The authoritative reference and input builder live on the scoring server;
editing this copy changes nothing except your own understanding.
"""

import jax, jax.numpy as jnp
import numpy as np

VOCAB = 100000
D_MODEL = 2048
MAX_SEQ = 2048
BATCH = 4
SEQ = 2048

def setup_inputs(seed: int = 0) -> dict:
    key = jax.random.key(seed)
    k1, k2, k3 = jax.random.split(key, 3)
    x = jax.random.randint(k1, (BATCH, SEQ), 0, VOCAB, dtype=jnp.int64 if jax.config.jax_enable_x64 else jnp.int32)
    token_table = jax.random.normal(k2, (VOCAB, D_MODEL), dtype=jnp.float32) * 0.02
    pos_table = jax.random.normal(k3, (MAX_SEQ, D_MODEL), dtype=jnp.float32) * 0.02
    return {"x": x, "token_table": token_table, "pos_table": pos_table}

def reference(x, token_table, pos_table):
    # TokenEmbedding: gather rows of the vocab table
    tok = jnp.take(token_table, x, axis=0)                 # [B, S, D]
    # PositionalEmbedding: learned positions indexed by sequence position of x
    seq_len = x.shape[1]
    pos = jnp.take(pos_table, jnp.arange(seq_len), axis=0)  # [S, D]
    return tok + pos[None, :, :]

if __name__ == "__main__":
    import jax
    _d = setup_inputs()
    print(jax.jit(kernel)(*tuple(_d.values())))

</pallas_src>

<mosaic_0001>
#map = affine_map<(d0, d1) -> (0, 0)>
module attributes {stable_mosaic.version = 14 : i64} {
  func.func @k(%arg0: i32, %arg1: i32, %arg2: memref<4x2048xi32, #tpu.memory_space<hbm>>, %arg3: memref<100000x2048xf32, #tpu.memory_space<hbm>>, %arg4: memref<2048x2048xf32, #tpu.memory_space<hbm>>, %arg5: memref<8192x2048xf32, #tpu.memory_space<hbm>>, %arg6: memref<4x64xi32, #tpu.memory_space<vmem>>, %arg7: memref<8x2048xf32, #tpu.memory_space<vmem>>, %arg8: memref<8x2048xf32, #tpu.memory_space<vmem>>, %arg9: memref<8x2048xf32, #tpu.memory_space<vmem>>, %arg10: memref<8x2048xf32, #tpu.memory_space<vmem>>, %arg11: memref<8x2048xf32, #tpu.memory_space<vmem>>, %arg12: memref<8x2048xf32, #tpu.memory_space<vmem>>, %arg13: memref<!tpu.dma_semaphore, #tpu.memory_space<semaphore_mem>>, %arg14: memref<!tpu.dma_semaphore, #tpu.memory_space<semaphore_mem>>, %arg15: memref<!tpu.dma_semaphore, #tpu.memory_space<semaphore_mem>>, %arg16: memref<!tpu.dma_semaphore, #tpu.memory_space<semaphore_mem>>, %arg17: memref<!tpu.dma_semaphore, #tpu.memory_space<semaphore_mem>>, %arg18: memref<!tpu.dma_semaphore, #tpu.memory_space<semaphore_mem>>, %arg19: memref<!tpu.dma_semaphore, #tpu.memory_space<semaphore_mem>>, %arg20: memref<!tpu.dma_semaphore, #tpu.memory_space<semaphore_mem>>, %arg21: memref<!tpu.dma_semaphore, #tpu.memory_space<semaphore_mem>>, %arg22: memref<!tpu.dma_semaphore, #tpu.memory_space<semaphore_mem>>) attributes {dimension_semantics = [#tpu.dimension_semantics<core_parallel>, #tpu.dimension_semantics<subcore_parallel>], iteration_bounds = array<i64: 2, 16>, scalar_prefetch = 0 : i64, scratch_operands = 17 : i64, tpu.core_type = #tpu.core_type<sc_vector_subcore>, window_params = [{transform_indices = #map}, {transform_indices = #map}, {transform_indices = #map}, {transform_indices = #map}]} {
    %mul3A = arith.constant 2 : i32
    %mul3A_0 = arith.muli %arg1, %mul3A : i32
    %add3A = arith.addi %mul3A_0, %arg0 : i32
    %mul3A_1 = arith.constant 64 : i32
    %mul3A_2 = arith.muli %add3A, %mul3A_1 : i32
    %run_scoped3A = arith.constant 0 : i32
    %run_scoped3A_3 = arith.constant 0 : i32
    "tpu.region"() ({
      %run_scoped3A_51 = tpu.sem_alloc : memref<!tpu.dma_semaphore, #tpu.memory_space<semaphore_mem>>
      %dma_start3A_52 = arith.constant 0 : i32
      %dma_start3A_53 = tpu.memref_slice %arg6[%run_scoped3A_3, %dma_start3A_52] : memref<4x64xi32, #tpu.memory_space<vmem>> -> memref<1x64xi32, #tpu.memory_space<vmem>>
      %dma_start3A_54 = tpu.memref_squeeze %dma_start3A_53 : memref<1x64xi32, #tpu.memory_space<vmem>> -> memref<64xi32, #tpu.memory_space<vmem>>
      %dma_start3A_55 = tpu.memref_slice %arg2[%run_scoped3A, %mul3A_2] : memref<4x2048xi32, #tpu.memory_space<hbm>> -> memref<1x64xi32, #tpu.memory_space<hbm>>
      %dma_start3A_56 = tpu.memref_squeeze %dma_start3A_55 : memref<1x64xi32, #tpu.memory_space<hbm>> -> memref<64xi32, #tpu.memory_space<hbm>>
      %dma_start3A_57 = arith.constant 0 : i32
      %dma_start3A_58 = tpu.memref_slice %arg6[%run_scoped3A_3, %dma_start3A_57] : memref<4x64xi32, #tpu.memory_space<vmem>> -> memref<1x64xi32, #tpu.memory_space<vmem>>
      %dma_start3A_59 = tpu.memref_squeeze %dma_start3A_58 : memref<1x64xi32, #tpu.memory_space<vmem>> -> memref<64xi32, #tpu.memory_space<vmem>>
      %dma_start3A_60 = tpu.memref_slice %arg2[%run_scoped3A, %mul3A_2] : memref<4x2048xi32, #tpu.memory_space<hbm>> -> memref<1x64xi32, #tpu.memory_space<hbm>>
      %dma_start3A_61 = tpu.memref_squeeze %dma_start3A_60 : memref<1x64xi32, #tpu.memory_space<hbm>> -> memref<64xi32, #tpu.memory_space<hbm>>
      tpu.enqueue_dma source(%dma_start3A_61 : memref<64xi32, #tpu.memory_space<hbm>>) target(%dma_start3A_59 : memref<64xi32, #tpu.memory_space<vmem>>) target_semaphore(%run_scoped3A_51 : memref<!tpu.dma_semaphore, #tpu.memory_space<semaphore_mem>>)
      %dma_wait3A_62 = arith.constant 0 : i32
      %dma_wait3A_63 = tpu.memref_slice %arg6[%run_scoped3A_3, %dma_wait3A_62] : memref<4x64xi32, #tpu.memory_space<vmem>> -> memref<1x64xi32, #tpu.memory_space<vmem>>
      %dma_wait3A_64 = tpu.memref_squeeze %dma_wait3A_63 : memref<1x64xi32, #tpu.memory_space<vmem>> -> memref<64xi32, #tpu.memory_space<vmem>>
      %dma_wait3A_65 = tpu.memref_slice %arg2[%run_scoped3A, %mul3A_2] : memref<4x2048xi32, #tpu.memory_space<hbm>> -> memref<1x64xi32, #tpu.memory_space<hbm>>
      %dma_wait3A_66 = tpu.memref_squeeze %dma_wait3A_65 : memref<1x64xi32, #tpu.memory_space<hbm>> -> memref<64xi32, #tpu.memory_space<hbm>>
      %dma_wait3A_67 = arith.constant 0 : i32
      %dma_wait3A_68 = tpu.memref_slice %arg6[%run_scoped3A_3, %dma_wait3A_67] : memref<4x64xi32, #tpu.memory_space<vmem>> -> memref<1x64xi32, #tpu.memory_space<vmem>>
      %dma_wait3A_69 = tpu.memref_squeeze %dma_wait3A_68 : memref<1x64xi32, #tpu.memory_space<vmem>> -> memref<64xi32, #tpu.memory_space<vmem>>
      %dma_wait3A_70 = tpu.memref_slice %arg2[%run_scoped3A, %mul3A_2] : memref<4x2048xi32, #tpu.memory_space<hbm>> -> memref<1x64xi32, #tpu.memory_space<hbm>>
      %dma_wait3A_71 = tpu.memref_squeeze %dma_wait3A_70 : memref<1x64xi32, #tpu.memory_space<hbm>> -> memref<64xi32, #tpu.memory_space<hbm>>
      tpu.wait_dma2 semaphore(%run_scoped3A_51 : memref<!tpu.dma_semaphore, #tpu.memory_space<semaphore_mem>>) src(%dma_wait3A_71 : memref<64xi32, #tpu.memory_space<hbm>>) dst(%dma_wait3A_69 : memref<64xi32, #tpu.memory_space<vmem>>)
      tpu.yield
    }) : () -> ()
    %run_scoped3A_4 = arith.constant 1 : i32
    %run_scoped3A_5 = arith.constant 1 : i32
    "tpu.region"() ({
      %run_scoped3A_51 = tpu.sem_alloc : memref<!tpu.dma_semaphore, #tpu.memory_space<semaphore_mem>>
      %dma_start3A_52 = arith.constant 0 : i32
      %dma_start3A_53 = tpu.memref_slice %arg6[%run_scoped3A_5, %dma_start3A_52] : memref<4x64xi32, #tpu.memory_space<vmem>> -> memref<1x64xi32, #tpu.memory_space<vmem>>
      %dma_start3A_54 = tpu.memref_squeeze %dma_start3A_53 : memref<1x64xi32, #tpu.memory_space<vmem>> -> memref<64xi32, #tpu.memory_space<vmem>>
      %dma_start3A_55 = tpu.memref_slice %arg2[%run_scoped3A_4, %mul3A_2] : memref<4x2048xi32, #tpu.memory_space<hbm>> -> memref<1x64xi32, #tpu.memory_space<hbm>>
      %dma_start3A_56 = tpu.memref_squeeze %dma_start3A_55 : memref<1x64xi32, #tpu.memory_space<hbm>> -> memref<64xi32, #tpu.memory_space<hbm>>
      %dma_start3A_57 = arith.constant 0 : i32
      %dma_start3A_58 = tpu.memref_slice %arg6[%run_scoped3A_5, %dma_start3A_57] : memref<4x64xi32, #tpu.memory_space<vmem>> -> memref<1x64xi32, #tpu.memory_space<vmem>>
      %dma_start3A_59 = tpu.memref_squeeze %dma_start3A_58 : memref<1x64xi32, #tpu.memory_space<vmem>> -> memref<64xi32, #tpu.memory_space<vmem>>
      %dma_start3A_60 = tpu.memref_slice %arg2[%run_scoped3A_4, %mul3A_2] : memref<4x2048xi32, #tpu.memory_space<hbm>> -> memref<1x64xi32, #tpu.memory_space<hbm>>
      %dma_start3A_61 = tpu.memref_squeeze %dma_start3A_60 : memref<1x64xi32, #tpu.memory_space<hbm>> -> memref<64xi32, #tpu.memory_space<hbm>>
      tpu.enqueue_dma source(%dma_start3A_61 : memref<64xi32, #tpu.memory_space<hbm>>) target(%dma_start3A_59 : memref<64xi32, #tpu.memory_space<vmem>>) target_semaphore(%run_scoped3A_51 : memref<!tpu.dma_semaphore, #tpu.memory_space<semaphore_mem>>)
      %dma_wait3A_62 = arith.constant 0 : i32
      %dma_wait3A_63 = tpu.memref_slice %arg6[%run_scoped3A_5, %dma_wait3A_62] : memref<4x64xi32, #tpu.memory_space<vmem>> -> memref<1x64xi32, #tpu.memory_space<vmem>>
      %dma_wait3A_64 = tpu.memref_squeeze %dma_wait3A_63 : memref<1x64xi32, #tpu.memory_space<vmem>> -> memref<64xi32, #tpu.memory_space<vmem>>
      %dma_wait3A_65 = tpu.memref_slice %arg2[%run_scoped3A_4, %mul3A_2] : memref<4x2048xi32, #tpu.memory_space<hbm>> -> memref<1x64xi32, #tpu.memory_space<hbm>>
      %dma_wait3A_66 = tpu.memref_squeeze %dma_wait3A_65 : memref<1x64xi32, #tpu.memory_space<hbm>> -> memref<64xi32, #tpu.memory_space<hbm>>
      %dma_wait3A_67 = arith.constant 0 : i32
      %dma_wait3A_68 = tpu.memref_slice %arg6[%run_scoped3A_5, %dma_wait3A_67] : memref<4x64xi32, #tpu.memory_space<vmem>> -> memref<1x64xi32, #tpu.memory_space<vmem>>
      %dma_wait3A_69 = tpu.memref_squeeze %dma_wait3A_68 : memref<1x64xi32, #tpu.memory_space<vmem>> -> memref<64xi32, #tpu.memory_space<vmem>>
      %dma_wait3A_70 = tpu.memref_slice %arg2[%run_scoped3A_4, %mul3A_2] : memref<4x2048xi32, #tpu.memory_space<hbm>> -> memref<1x64xi32, #tpu.memory_space<hbm>>
      %dma_wait3A_71 = tpu.memref_squeeze %dma_wait3A_70 : memref<1x64xi32, #tpu.memory_space<hbm>> -> memref<64xi32, #tpu.memory_space<hbm>>
      tpu.wait_dma2 semaphore(%run_scoped3A_51 : memref<!tpu.dma_semaphore, #tpu.memory_space<semaphore_mem>>) src(%dma_wait3A_71 : memref<64xi32, #tpu.memory_space<hbm>>) dst(%dma_wait3A_69 : memref<64xi32, #tpu.memory_space<vmem>>)
      tpu.yield
    }) : () -> ()
    %run_scoped3A_6 = arith.constant 2 : i32
    %run_scoped3A_7 = arith.constant 2 : i32
    "tpu.region"() ({
      %run_scoped3A_51 = tpu.sem_alloc : memref<!tpu.dma_semaphore, #tpu.memory_space<semaphore_mem>>
      %dma_start3A_52 = arith.constant 0 : i32
      %dma_start3A_53 = tpu.memref_slice %arg6[%run_scoped3A_7, %dma_start3A_52] : memref<4x64xi32, #tpu.memory_space<vmem>> -> memref<1x64xi32, #tpu.memory_space<vmem>>
      %dma_start3A_54 = tpu.memref_squeeze %dma_start3A_53 : memref<1x64xi32, #tpu.memory_space<vmem>> -> memref<64xi32, #tpu.memory_space<vmem>>
      %dma_start3A_55 = tpu.memref_slice %arg2[%run_scoped3A_6, %mul3A_2] : memref<4x2048xi32, #tpu.memory_space<hbm>> -> memref<1x64xi32, #tpu.memory_space<hbm>>
      %dma_start3A_56 = tpu.memref_squeeze %dma_start3A_55 : memref<1x64xi32, #tpu.memory_space<hbm>> -> memref<64xi32, #tpu.memory_space<hbm>>
      %dma_start3A_57 = arith.constant 0 : i32
      %dma_start3A_58 = tpu.memref_slice %arg6[%run_scoped3A_7, %dma_start3A_57] : memref<4x64xi32, #tpu.memory_space<vmem>> -> memref<1x64xi32, #tpu.memory_space<vmem>>
      %dma_start3A_59 = tpu.memref_squeeze %dma_start3A_58 : memref<1x64xi32, #tpu.memory_space<vmem>> -> memref<64xi32, #tpu.memory_space<vmem>>
      %dma_start3A_60 = tpu.memref_slice %arg2[%run_scoped3A_6, %mul3A_2] : memref<4x2048xi32, #tpu.memory_space<hbm>> -> memref<1x64xi32, #tpu.memory_space<hbm>>
      %dma_start3A_61 = tpu.memref_squeeze %dma_start3A_60 : memref<1x64xi32, #tpu.memory_space<hbm>> -> memref<64xi32, #tpu.memory_space<hbm>>
      tpu.enqueue_dma source(%dma_start3A_61 : memref<64xi32, #tpu.memory_space<hbm>>) target(%dma_start3A_59 : memref<64xi32, #tpu.memory_space<vmem>>) target_semaphore(%run_scoped3A_51 : memref<!tpu.dma_semaphore, #tpu.memory_space<semaphore_mem>>)
      %dma_wait3A_62 = arith.constant 0 : i32
      %dma_wait3A_63 = tpu.memref_slice %arg6[%run_scoped3A_7, %dma_wait3A_62] : memref<4x64xi32, #tpu.memory_space<vmem>> -> memref<1x64xi32, #tpu.memory_space<vmem>>
      %dma_wait3A_64 = tpu.memref_squeeze %dma_wait3A_63 : memref<1x64xi32, #tpu.memory_space<vmem>> -> memref<64xi32, #tpu.memory_space<vmem>>
      %dma_wait3A_65 = tpu.memref_slice %arg2[%run_scoped3A_6, %mul3A_2] : memref<4x2048xi32, #tpu.memory_space<hbm>> -> memref<1x64xi32, #tpu.memory_space<hbm>>
      %dma_wait3A_66 = tpu.memref_squeeze %dma_wait3A_65 : memref<1x64xi32, #tpu.memory_space<hbm>> -> memref<64xi32, #tpu.memory_space<hbm>>
      %dma_wait3A_67 = arith.constant 0 : i32
      %dma_wait3A_68 = tpu.memref_slice %arg6[%run_scoped3A_7, %dma_wait3A_67] : memref<4x64xi32, #tpu.memory_space<vmem>> -> memref<1x64xi32, #tpu.memory_space<vmem>>
      %dma_wait3A_69 = tpu.memref_squeeze %dma_wait3A_68 : memref<1x64xi32, #tpu.memory_space<vmem>> -> memref<64xi32, #tpu.memory_space<vmem>>
      %dma_wait3A_70 = tpu.memref_slice %arg2[%run_scoped3A_6, %mul3A_2] : memref<4x2048xi32, #tpu.memory_space<hbm>> -> memref<1x64xi32, #tpu.memory_space<hbm>>
      %dma_wait3A_71 = tpu.memref_squeeze %dma_wait3A_70 : memref<1x64xi32, #tpu.memory_space<hbm>> -> memref<64xi32, #tpu.memory_space<hbm>>
      tpu.wait_dma2 semaphore(%run_scoped3A_51 : memref<!tpu.dma_semaphore, #tpu.memory_space<semaphore_mem>>) src(%dma_wait3A_71 : memref<64xi32, #tpu.memory_space<hbm>>) dst(%dma_wait3A_69 : memref<64xi32, #tpu.memory_space<vmem>>)
      tpu.yield
    }) : () -> ()
    %run_scoped3A_8 = arith.constant 3 : i32
    %run_scoped3A_9 = arith.constant 3 : i32
    "tpu.region"() ({
      %run_scoped3A_51 = tpu.sem_alloc : memref<!tpu.dma_semaphore, #tpu.memory_space<semaphore_mem>>
      %dma_start3A_52 = arith.constant 0 : i32
      %dma_start3A_53 = tpu.memref_slice %arg6[%run_scoped3A_9, %dma_start3A_52] : memref<4x64xi32, #tpu.memory_space<vmem>> -> memref<1x64xi32, #tpu.memory_space<vmem>>
      %dma_start3A_54 = tpu.memref_squeeze %dma_start3A_53 : memref<1x64xi32, #tpu.memory_space<vmem>> -> memref<64xi32, #tpu.memory_space<vmem>>
      %dma_start3A_55 = tpu.memref_slice %arg2[%run_scoped3A_8, %mul3A_2] : memref<4x2048xi32, #tpu.memory_space<hbm>> -> memref<1x64xi32, #tpu.memory_space<hbm>>
      %dma_start3A_56 = tpu.memref_squeeze %dma_start3A_55 : memref<1x64xi32, #tpu.memory_space<hbm>> -> memref<64xi32, #tpu.memory_space<hbm>>
      %dma_start3A_57 = arith.constant 0 : i32
      %dma_start3A_58 = tpu.memref_slice %arg6[%run_scoped3A_9, %dma_start3A_57] : memref<4x64xi32, #tpu.memory_space<vmem>> -> memref<1x64xi32, #tpu.memory_space<vmem>>
      %dma_start3A_59 = tpu.memref_squeeze %dma_start3A_58 : memref<1x64xi32, #tpu.memory_space<vmem>> -> memref<64xi32, #tpu.memory_space<vmem>>
      %dma_start3A_60 = tpu.memref_slice %arg2[%run_scoped3A_8, %mul3A_2] : memref<4x2048xi32, #tpu.memory_space<hbm>> -> memref<1x64xi32, #tpu.memory_space<hbm>>
      %dma_start3A_61 = tpu.memref_squeeze %dma_start3A_60 : memref<1x64xi32, #tpu.memory_space<hbm>> -> memref<64xi32, #tpu.memory_space<hbm>>
      tpu.enqueue_dma source(%dma_start3A_61 : memref<64xi32, #tpu.memory_space<hbm>>) target(%dma_start3A_59 : memref<64xi32, #tpu.memory_space<vmem>>) target_semaphore(%run_scoped3A_51 : memref<!tpu.dma_semaphore, #tpu.memory_space<semaphore_mem>>)
      %dma_wait3A_62 = arith.constant 0 : i32
      %dma_wait3A_63 = tpu.memref_slice %arg6[%run_scoped3A_9, %dma_wait3A_62] : memref<4x64xi32, #tpu.memory_space<vmem>> -> memref<1x64xi32, #tpu.memory_space<vmem>>
      %dma_wait3A_64 = tpu.memref_squeeze %dma_wait3A_63 : memref<1x64xi32, #tpu.memory_space<vmem>> -> memref<64xi32, #tpu.memory_space<vmem>>
      %dma_wait3A_65 = tpu.memref_slice %arg2[%run_scoped3A_8, %mul3A_2] : memref<4x2048xi32, #tpu.memory_space<hbm>> -> memref<1x64xi32, #tpu.memory_space<hbm>>
      %dma_wait3A_66 = tpu.memref_squeeze %dma_wait3A_65 : memref<1x64xi32, #tpu.memory_space<hbm>> -> memref<64xi32, #tpu.memory_space<hbm>>
      %dma_wait3A_67 = arith.constant 0 : i32
      %dma_wait3A_68 = tpu.memref_slice %arg6[%run_scoped3A_9, %dma_wait3A_67] : memref<4x64xi32, #tpu.memory_space<vmem>> -> memref<1x64xi32, #tpu.memory_space<vmem>>
      %dma_wait3A_69 = tpu.memref_squeeze %dma_wait3A_68 : memref<1x64xi32, #tpu.memory_space<vmem>> -> memref<64xi32, #tpu.memory_space<vmem>>
      %dma_wait3A_70 = tpu.memref_slice %arg2[%run_scoped3A_8, %mul3A_2] : memref<4x2048xi32, #tpu.memory_space<hbm>> -> memref<1x64xi32, #tpu.memory_space<hbm>>
      %dma_wait3A_71 = tpu.memref_squeeze %dma_wait3A_70 : memref<1x64xi32, #tpu.memory_space<hbm>> -> memref<64xi32, #tpu.memory_space<hbm>>
      tpu.wait_dma2 semaphore(%run_scoped3A_51 : memref<!tpu.dma_semaphore, #tpu.memory_space<semaphore_mem>>) src(%dma_wait3A_71 : memref<64xi32, #tpu.memory_space<hbm>>) dst(%dma_wait3A_69 : memref<64xi32, #tpu.memory_space<vmem>>)
      tpu.yield
    }) : () -> ()
    %add3A_10 = arith.constant 0 : i32
    %add3A_11 = arith.addi %mul3A_2, %add3A_10 : i32
    %dma_start3A = arith.constant 0 : i32
    %dma_start3A_12 = tpu.memref_slice %arg4[%add3A_11, %dma_start3A] : memref<2048x2048xf32, #tpu.memory_space<hbm>> -> memref<8x2048xf32, #tpu.memory_space<hbm>>
    %dma_start3A_13 = arith.constant 0 : i32
    %dma_start3A_14 = tpu.memref_slice %arg4[%add3A_11, %dma_start3A_13] : memref<2048x2048xf32, #tpu.memory_space<hbm>> -> memref<8x2048xf32, #tpu.memory_space<hbm>>
    tpu.enqueue_dma source(%dma_start3A_14 : memref<8x2048xf32, #tpu.memory_space<hbm>>) target(%arg11 : memref<8x2048xf32, #tpu.memory_space<vmem>>) target_semaphore(%arg21 : memref<!tpu.dma_semaphore, #tpu.memory_space<semaphore_mem>>)
    %add3A_15 = arith.constant 8 : i32
    %add3A_16 = arith.addi %mul3A_2, %add3A_15 : i32
    %dma_start3A_17 = arith.constant 0 : i32
    %dma_start3A_18 = tpu.memref_slice %arg4[%add3A_16, %dma_start3A_17] : memref<2048x2048xf32, #tpu.memory_space<hbm>> -> memref<8x2048xf32, #tpu.memory_space<hbm>>
    %dma_start3A_19 = arith.constant 0 : i32
    %dma_start3A_20 = tpu.memref_slice %arg4[%add3A_16, %dma_start3A_19] : memref<2048x2048xf32, #tpu.memory_space<hbm>> -> memref<8x2048xf32, #tpu.memory_space<hbm>>
    tpu.enqueue_dma source(%dma_start3A_20 : memref<8x2048xf32, #tpu.memory_space<hbm>>) target(%arg12 : memref<8x2048xf32, #tpu.memory_space<vmem>>) target_semaphore(%arg22 : memref<!tpu.dma_semaphore, #tpu.memory_space<semaphore_mem>>)
    %dma_start3A_21 = arith.constant 0 : i32
    %dma_start3A_22 = arith.constant 0 : i32
    %dma_start3A_23 = tpu.memref_slice %arg6[%dma_start3A_21, %dma_start3A_22] : memref<4x64xi32, #tpu.memory_space<vmem>> -> memref<1x8xi32, #tpu.memory_space<vmem>>
    %dma_start3A_24 = tpu.memref_squeeze %dma_start3A_23 : memref<1x8xi32, #tpu.memory_space<vmem>> -> memref<8xi32, #tpu.memory_space<vmem>>
    %dma_start3A_25 = arith.constant 0 : i32
    %dma_start3A_26 = arith.constant 0 : i32
    %dma_start3A_27 = tpu.memref_slice %arg3[%dma_start3A_25, %dma_start3A_26] : memref<100000x2048xf32, #tpu.memory_space<hbm>> -> memref<100000x2048xf32, #tpu.memory_space<hbm>>
    tpu.enqueue_indirect_dma source(%dma_start3A_27 : memref<100000x2048xf32, #tpu.memory_space<hbm>>) target(%arg7 : memref<8x2048xf32, #tpu.memory_space<vmem>>) offsets(%dma_start3A_24 : memref<8xi32, #tpu.memory_space<vmem>>) semaphore(%arg13 : memref<!tpu.dma_semaphore, #tpu.memory_space<semaphore_mem>>)
    %dma_start3A_28 = arith.constant 1 : i32
    %dma_start3A_29 = arith.constant 0 : i32
    %dma_start3A_30 = tpu.memref_slice %arg6[%dma_start3A_28, %dma_start3A_29] : memref<4x64xi32, #tpu.memory_space<vmem>> -> memref<1x8xi32, #tpu.memory_space<vmem>>
    %dma_start3A_31 = tpu.memref_squeeze %dma_start3A_30 : memref<1x8xi32, #tpu.memory_space<vmem>> -> memref<8xi32, #tpu.memory_space<vmem>>
    %dma_start3A_32 = arith.constant 0 : i32
    %dma_start3A_33 = arith.constant 0 : i32
    %dma_start3A_34 = tpu.memref_slice %arg3[%dma_start3A_32, %dma_start3A_33] : memref<100000x2048xf32, #tpu.memory_space<hbm>> -> memref<100000x2048xf32, #tpu.memory_space<hbm>>
    tpu.enqueue_indirect_dma source(%dma_start3A_34 : memref<100000x2048xf32, #tpu.memory_space<hbm>>) target(%arg8 : memref<8x2048xf32, #tpu.memory_space<vmem>>) offsets(%dma_start3A_31 : memref<8xi32, #tpu.memory_space<vmem>>) semaphore(%arg14 : memref<!tpu.dma_semaphore, #tpu.memory_space<semaphore_mem>>)
    %scan3A = arith.constant 0 : i32
    %scan3A_35 = arith.constant 0 : i32
    %scan3A_36 = arith.constant 4 : i32
    %scan3A_37 = arith.addi %scan3A_35, %scan3A_36 : i32
    %scan3A_38 = arith.constant 1 : i32
    scf.for %scan3A_51 = %scan3A_35 to %scan3A_37 step %scan3A_38  : i32 {
      %mul3A_52 = arith.constant 2 : i32
      %mul3A_53 = arith.muli %scan3A_51, %mul3A_52 : i32
      %add3A_54 = arith.constant 0 : i32
      %add3A_55 = arith.addi %mul3A_53, %add3A_54 : i32
      %dma_wait3A_56 = arith.constant 0 : i32
      %dma_wait3A_57 = arith.constant 0 : i32
      %dma_wait3A_58 = tpu.memref_slice %arg4[%dma_wait3A_56, %dma_wait3A_57] : memref<2048x2048xf32, #tpu.memory_space<hbm>> -> memref<8x2048xf32, #tpu.memory_space<hbm>>
      %dma_wait3A_59 = arith.constant 0 : i32
      %dma_wait3A_60 = arith.constant 0 : i32
      %dma_wait3A_61 = tpu.memref_slice %arg4[%dma_wait3A_59, %dma_wait3A_60] : memref<2048x2048xf32, #tpu.memory_space<hbm>> -> memref<8x2048xf32, #tpu.memory_space<hbm>>
      tpu.wait_dma2 semaphore(%arg21 : memref<!tpu.dma_semaphore, #tpu.memory_space<semaphore_mem>>) src(%dma_wait3A_61 : memref<8x2048xf32, #tpu.memory_space<hbm>>) dst(%arg11 : memref<8x2048xf32, #tpu.memory_space<vmem>>)
      %mul3A_62 = arith.constant 4 : i32
      %mul3A_63 = arith.muli %add3A_55, %mul3A_62 : i32
      %add3A_64 = arith.constant 0 : i32
      %add3A_65 = arith.addi %mul3A_63, %add3A_64 : i32
      %dma_wait3A_66 = arith.constant 0 : i32
      %dma_wait3A_67 = arith.constant 0 : i32
      %dma_wait3A_68 = tpu.memref_slice %arg6[%dma_wait3A_66, %dma_wait3A_67] : memref<4x64xi32, #tpu.memory_space<vmem>> -> memref<1x8xi32, #tpu.memory_space<vmem>>
      %dma_wait3A_69 = tpu.memref_squeeze %dma_wait3A_68 : memref<1x8xi32, #tpu.memory_space<vmem>> -> memref<8xi32, #tpu.memory_space<vmem>>
      %dma_wait3A_70 = arith.constant 0 : i32
      %dma_wait3A_71 = arith.constant 0 : i32
      %dma_wait3A_72 = tpu.memref_slice %arg3[%dma_wait3A_70, %dma_wait3A_71] : memref<100000x2048xf32, #tpu.memory_space<hbm>> -> memref<100000x2048xf32, #tpu.memory_space<hbm>>
      tpu.wait_indirect_dma semaphore(%arg13 : memref<!tpu.dma_semaphore, #tpu.memory_space<semaphore_mem>>) src(%dma_wait3A_72 : memref<100000x2048xf32, #tpu.memory_space<hbm>>) dst(%arg7 : memref<8x2048xf32, #tpu.memory_space<vmem>>)
      %dma_wait3A_73 = arith.constant 0 : i32
      %dma_wait3A_74 = arith.constant 0 : i32
      %dma_wait3A_75 = tpu.memref_slice %arg6[%dma_wait3A_73, %dma_wait3A_74] : memref<4x64xi32, #tpu.memory_space<vmem>> -> memref<1x8xi32, #tpu.memory_space<vmem>>
      %dma_wait3A_76 = tpu.memref_squeeze %dma_wait3A_75 : memref<1x8xi32, #tpu.memory_space<vmem>> -> memref<8xi32, #tpu.memory_space<vmem>>
      %dma_wait3A_77 = arith.constant 0 : i32
      %dma_wait3A_78 = arith.constant 0 : i32
      %dma_wait3A_79 = tpu.memref_slice %arg3[%dma_wait3A_77, %dma_wait3A_78] : memref<100000x2048xf32, #tpu.memory_space<hbm>> -> memref<100000x2048xf32, #tpu.memory_space<hbm>>
      tpu.wait_indirect_dma semaphore(%arg14 : memref<!tpu.dma_semaphore, #tpu.memory_space<semaphore_mem>>) src(%dma_wait3A_79 : memref<100000x2048xf32, #tpu.memory_space<hbm>>) dst(%arg8 : memref<8x2048xf32, #tpu.memory_space<vmem>>)
      %ge3A = arith.constant 2 : i32
      %ge3A_80 = arith.cmpi sge, %add3A_65, %ge3A : i32
      %convert_element_type3A = arith.extui %ge3A_80 : i1 to i32
      %cond3A = arith.constant 0 : i32
      %cond3A_81 = arith.cmpi ne, %convert_element_type3A, %cond3A : i32
      scf.if %cond3A_81 {
        %dma_wait3A_326 = arith.constant 0 : i32
        %dma_wait3A_327 = arith.constant 0 : i32
        %dma_wait3A_328 = tpu.memref_slice %arg5[%dma_wait3A_326, %dma_wait3A_327] : memref<8192x2048xf32, #tpu.memory_space<hbm>> -> memref<8x2048xf32, #tpu.memory_space<hbm>>
        %dma_wait3A_329 = arith.constant 0 : i32
        %dma_wait3A_330 = arith.constant 0 : i32
        %dma_wait3A_331 = tpu.memref_slice %arg5[%dma_wait3A_329, %dma_wait3A_330] : memref<8192x2048xf32, #tpu.memory_space<hbm>> -> memref<8x2048xf32, #tpu.memory_space<hbm>>
        tpu.wait_dma2 semaphore(%arg19 : memref<!tpu.dma_semaphore, #tpu.memory_space<semaphore_mem>>) src(%arg9 : memref<8x2048xf32, #tpu.memory_space<vmem>>) dst(%dma_wait3A_331 : memref<8x2048xf32, #tpu.memory_space<hbm>>)
        %dma_wait3A_332 = arith.constant 0 : i32
        %dma_wait3A_333 = arith.constant 0 : i32
        %dma_wait3A_334 = tpu.memref_slice %arg5[%dma_wait3A_332, %dma_wait3A_333] : memref<8192x2048xf32, #tpu.memory_space<hbm>> -> memref<8x2048xf32, #tpu.memory_space<hbm>>
        %dma_wait3A_335 = arith.constant 0 : i32
        %dma_wait3A_336 = arith.constant 0 : i32
        %dma_wait3A_337 = tpu.memref_slice %arg5[%dma_wait3A_335, %dma_wait3A_336] : memref<8192x2048xf32, #tpu.memory_space<hbm>> -> memref<8x2048xf32, #tpu.memory_space<hbm>>
        tpu.wait_dma2 semaphore(%arg20 : memref<!tpu.dma_semaphore, #tpu.memory_space<semaphore_mem>>) src(%arg10 : memref<8x2048xf32, #tpu.memory_space<vmem>>) dst(%dma_wait3A_337 : memref<8x2048xf32, #tpu.memory_space<hbm>>)
      } else {
      }
      %add3A_82 = arith.constant 0 : i32
      %add3A_83 = arith.addi %add3A_55, %add3A_82 : i32
      %lt3A = arith.constant 8 : i32
      %lt3A_84 = arith.cmpi slt, %add3A_83, %lt3A : i32
      %convert_element_type3A_85 = arith.extui %lt3A_84 : i1 to i32
      %cond3A_86 = arith.constant 0 : i32
      %cond3A_87 = arith.cmpi ne, %convert_element_type3A_85, %cond3A_86 : i32
      scf.if %cond3A_87 {
        %mul3A_326 = arith.constant 8 : i32
        %mul3A_327 = arith.muli %add3A_83, %mul3A_326 : i32
        %dma_start3A_328 = arith.constant 2 : i32
        %dma_start3A_329 = tpu.memref_slice %arg6[%dma_start3A_328, %mul3A_327] : memref<4x64xi32, #tpu.memory_space<vmem>> -> memref<1x8xi32, #tpu.memory_space<vmem>>
        %dma_start3A_330 = tpu.memref_squeeze %dma_start3A_329 : memref<1x8xi32, #tpu.memory_space<vmem>> -> memref<8xi32, #tpu.memory_space<vmem>>
        %dma_start3A_331 = arith.constant 0 : i32
        %dma_start3A_332 = arith.constant 0 : i32
        %dma_start3A_333 = tpu.memref_slice %arg3[%dma_start3A_331, %dma_start3A_332] : memref<100000x2048xf32, #tpu.memory_space<hbm>> -> memref<100000x2048xf32, #tpu.memory_space<hbm>>
        tpu.enqueue_indirect_dma source(%dma_start3A_333 : memref<100000x2048xf32, #tpu.memory_space<hbm>>) target(%arg9 : memref<8x2048xf32, #tpu.memory_space<vmem>>) offsets(%dma_start3A_330 : memref<8xi32, #tpu.memory_space<vmem>>) semaphore(%arg15 : memref<!tpu.dma_semaphore, #tpu.memory_space<semaphore_mem>>)
      } else {
      }
      %add3A_88 = arith.constant 0 : i32
      %add3A_89 = arith.addi %add3A_55, %add3A_88 : i32
      %lt3A_90 = arith.constant 8 : i32
      %lt3A_91 = arith.cmpi slt, %add3A_89, %lt3A_90 : i32
      %convert_element_type3A_92 = arith.extui %lt3A_91 : i1 to i32
      %cond3A_93 = arith.constant 0 : i32
      %cond3A_94 = arith.cmpi ne, %convert_element_type3A_92, %cond3A_93 : i32
      scf.if %cond3A_94 {
        %mul3A_326 = arith.constant 8 : i32
        %mul3A_327 = arith.muli %add3A_89, %mul3A_326 : i32
        %dma_start3A_328 = arith.constant 3 : i32
        %dma_start3A_329 = tpu.memref_slice %arg6[%dma_start3A_328, %mul3A_327] : memref<4x64xi32, #tpu.memory_space<vmem>> -> memref<1x8xi32, #tpu.memory_space<vmem>>
        %dma_start3A_330 = tpu.memref_squeeze %dma_start3A_329 : memref<1x8xi32, #tpu.memory_space<vmem>> -> memref<8xi32, #tpu.memory_space<vmem>>
        %dma_start3A_331 = arith.constant 0 : i32
        %dma_start3A_332 = arith.constant 0 : i32
        %dma_start3A_333 = tpu.memref_slice %arg3[%dma_start3A_331, %dma_start3A_332] : memref<100000x2048xf32, #tpu.memory_space<hbm>> -> memref<100000x2048xf32, #tpu.memory_space<hbm>>
        tpu.enqueue_indirect_dma source(%dma_start3A_333 : memref<100000x2048xf32, #tpu.memory_space<hbm>>) target(%arg10 : memref<8x2048xf32, #tpu.memory_space<vmem>>) offsets(%dma_start3A_330 : memref<8xi32, #tpu.memory_space<vmem>>) semaphore(%arg16 : memref<!tpu.dma_semaphore, #tpu.memory_space<semaphore_mem>>)
      } else {
      }
      %scan3A_95 = arith.constant 0 : i32
      %scan3A_96 = arith.constant 0 : i32
      %scan3A_97 = arith.constant 8 : i32
      %scan3A_98 = arith.addi %scan3A_96, %scan3A_97 : i32
      %scan3A_99 = arith.constant 1 : i32
      scf.for %scan3A_326 = %scan3A_96 to %scan3A_98 step %scan3A_99  : i32 {
        %parallel_loop3A = arith.constant 0 : i32
        %parallel_loop3A_327 = arith.constant 2048 : i32
        %parallel_loop3A_328 = arith.constant 16 : i32
        scf.for %parallel_loop3A_329 = %parallel_loop3A to %parallel_loop3A_327 step %parallel_loop3A_328  : i32 {
          %parallel_loop3A_330 = arith.index_cast %scan3A_326 : i32 to index
          %parallel_loop3A_331 = arith.index_cast %parallel_loop3A_329 : i32 to index
          %parallel_loop3A_332 = tpu.vector_load %arg11[%parallel_loop3A_330, %parallel_loop3A_331] {strides = array<i32>} : memref<8x2048xf32, #tpu.memory_space<vmem>>, vector<1x16xf32>,
          %parallel_loop3A_333 = vector.shape_cast %parallel_loop3A_332 : vector<1x16xf32> to vector<16xf32>
          %parallel_loop3A_334 = arith.index_cast %scan3A_326 : i32 to index
          %parallel_loop3A_335 = arith.index_cast %parallel_loop3A_329 : i32 to index
          %parallel_loop3A_336 = tpu.vector_load %arg7[%parallel_loop3A_334, %parallel_loop3A_335] {strides = array<i32>} : memref<8x2048xf32, #tpu.memory_space<vmem>>, vector<1x16xf32>,
          %parallel_loop3A_337 = vector.shape_cast %parallel_loop3A_336 : vector<1x16xf32> to vector<16xf32>
          %parallel_loop3A_338 = vector.shape_cast %parallel_loop3A_333 : vector<16xf32> to vector<1x16xf32>
          tpu.vector_store %arg7[%parallel_loop3A_334, %parallel_loop3A_335], %parallel_loop3A_338 {add = true, strides = array<i32>} : memref<8x2048xf32, #tpu.memory_space<vmem>>, vector<1x16xf32>,
          %parallel_loop3A_339 = arith.index_cast %scan3A_326 : i32 to index
          %parallel_loop3A_340 = arith.index_cast %parallel_loop3A_329 : i32 to index
          %parallel_loop3A_341 = tpu.vector_load %arg8[%parallel_loop3A_339, %parallel_loop3A_340] {strides = array<i32>} : memref<8x2048xf32, #tpu.memory_space<vmem>>, vector<1x16xf32>,
          %parallel_loop3A_342 = vector.shape_cast %parallel_loop3A_341 : vector<1x16xf32> to vector<16xf32>
          %parallel_loop3A_343 = vector.shape_cast %parallel_loop3A_333 : vector<16xf32> to vector<1x16xf32>
          tpu.vector_store %arg8[%parallel_loop3A_339, %parallel_loop3A_340], %parallel_loop3A_343 {add = true, strides = array<i32>} : memref<8x2048xf32, #tpu.memory_space<vmem>>, vector<1x16xf32>,
        } {sc.loop_unroll_factor = 8 : i64, sc.parallel_access}
      }
      %scan3A_100 = arith.constant 8 : i32
      %add3A_101 = arith.constant 0 : i32
      %add3A_102 = arith.addi %add3A_101, %mul3A_2 : i32
      %mul3A_103 = arith.constant 8 : i32
      %mul3A_104 = arith.muli %add3A_55, %mul3A_103 : i32
      %add3A_105 = arith.addi %add3A_102, %mul3A_104 : i32
      %dma_start3A_106 = arith.constant 0 : i32
      %dma_start3A_107 = tpu.memref_slice %arg5[%add3A_105, %dma_start3A_106] : memref<8192x2048xf32, #tpu.memory_space<hbm>> -> memref<8x2048xf32, #tpu.memory_space<hbm>>
      %dma_start3A_108 = arith.constant 0 : i32
      %dma_start3A_109 = tpu.memref_slice %arg5[%add3A_105, %dma_start3A_108] : memref<8192x2048xf32, #tpu.memory_space<hbm>> -> memref<8x2048xf32, #tpu.memory_space<hbm>>
      tpu.enqueue_dma source(%arg7 : memref<8x2048xf32, #tpu.memory_space<vmem>>) target(%dma_start3A_109 : memref<8x2048xf32, #tpu.memory_space<hbm>>) target_semaphore(%arg17 : memref<!tpu.dma_semaphore, #tpu.memory_space<semaphore_mem>>)
      %add3A_110 = arith.constant 2048 : i32
      %add3A_111 = arith.addi %add3A_110, %mul3A_2 : i32
      %mul3A_112 = arith.constant 8 : i32
      %mul3A_113 = arith.muli %add3A_55, %mul3A_112 : i32
      %add3A_114 = arith.addi %add3A_111, %mul3A_113 : i32
      %dma_start3A_115 = arith.constant 0 : i32
      %dma_start3A_116 = tpu.memref_slice %arg5[%add3A_114, %dma_start3A_115] : memref<8192x2048xf32, #tpu.memory_space<hbm>> -> memref<8x2048xf32, #tpu.memory_space<hbm>>
      %dma_start3A_117 = arith.constant 0 : i32
      %dma_start3A_118 = tpu.memref_slice %arg5[%add3A_114, %dma_start3A_117] : memref<8192x2048xf32, #tpu.memory_space<hbm>> -> memref<8x2048xf32, #tpu.memory_space<hbm>>
      tpu.enqueue_dma source(%arg8 : memref<8x2048xf32, #tpu.memory_space<vmem>>) target(%dma_start3A_118 : memref<8x2048xf32, #tpu.memory_space<hbm>>) target_semaphore(%arg18 : memref<!tpu.dma_semaphore, #tpu.memory_space<semaphore_mem>>)
      %mul3A_119 = arith.constant 4 : i32
      %mul3A_120 = arith.muli %add3A_55, %mul3A_119 : i32
      %add3A_121 = arith.constant 2 : i32
      %add3A_122 = arith.addi %mul3A_120, %add3A_121 : i32
      %dma_wait3A_123 = arith.constant 0 : i32
      %dma_wait3A_124 = arith.constant 0 : i32
      %dma_wait3A_125 = tpu.memref_slice %arg6[%dma_wait3A_123, %dma_wait3A_124] : memref<4x64xi32, #tpu.memory_space<vmem>> -> memref<1x8xi32, #tpu.memory_space<vmem>>
      %dma_wait3A_126 = tpu.memref_squeeze %dma_wait3A_125 : memref<1x8xi32, #tpu.memory_space<vmem>> -> memref<8xi32, #tpu.memory_space<vmem>>
      %dma_wait3A_127 = arith.constant 0 : i32
      %dma_wait3A_128 = arith.constant 0 : i32
      %dma_wait3A_129 = tpu.memref_slice %arg3[%dma_wait3A_127, %dma_wait3A_128] : memref<100000x2048xf32, #tpu.memory_space<hbm>> -> memref<100000x2048xf32, #tpu.memory_space<hbm>>
      tpu.wait_indirect_dma semaphore(%arg15 : memref<!tpu.dma_semaphore, #tpu.memory_space<semaphore_mem>>) src(%dma_wait3A_129 : memref<100000x2048xf32, #tpu.memory_space<hbm>>) dst(%arg9 : memref<8x2048xf32, #tpu.memory_space<vmem>>)
      %dma_wait3A_130 = arith.constant 0 : i32
      %dma_wait3A_131 = arith.constant 0 : i32
      %dma_wait3A_132 = tpu.memref_slice %arg6[%dma_wait3A_130, %dma_wait3A_131] : memref<4x64xi32, #tpu.memory_space<vmem>> -> memref<1x8xi32, #tpu.memory_space<vmem>>
      %dma_wait3A_133 = tpu.memref_squeeze %dma_wait3A_132 : memref<1x8xi32, #tpu.memory_space<vmem>> -> memref<8xi32, #tpu.memory_space<vmem>>
      %dma_wait3A_134 = arith.constant 0 : i32
      %dma_wait3A_135 = arith.constant 0 : i32
      %dma_wait3A_136 = tpu.memref_slice %arg3[%dma_wait3A_134, %dma_wait3A_135] : memref<100000x2048xf32, #tpu.memory_space<hbm>> -> memref<100000x2048xf32, #tpu.memory_space<hbm>>
      tpu.wait_indirect_dma semaphore(%arg16 : memref<!tpu.dma_semaphore, #tpu.memory_space<semaphore_mem>>) src(%dma_wait3A_136 : memref<100000x2048xf32, #tpu.memory_space<hbm>>) dst(%arg10 : memref<8x2048xf32, #tpu.memory_space<vmem>>)
      %ge3A_137 = arith.constant 2 : i32
      %ge3A_138 = arith.cmpi sge, %add3A_122, %ge3A_137 : i32
      %convert_element_type3A_139 = arith.extui %ge3A_138 : i1 to i32
      %cond3A_140 = arith.constant 0 : i32
      %cond3A_141 = arith.cmpi ne, %convert_element_type3A_139, %cond3A_140 : i32
      scf.if %cond3A_141 {
        %dma_wait3A_326 = arith.constant 0 : i32
        %dma_wait3A_327 = arith.constant 0 : i32
        %dma_wait3A_328 = tpu.memref_slice %arg5[%dma_wait3A_326, %dma_wait3A_327] : memref<8192x2048xf32, #tpu.memory_space<hbm>> -> memref<8x2048xf32, #tpu.memory_space<hbm>>
        %dma_wait3A_329 = arith.constant 0 : i32
        %dma_wait3A_330 = arith.constant 0 : i32
        %dma_wait3A_331 = tpu.memref_slice %arg5[%dma_wait3A_329, %dma_wait3A_330] : memref<8192x2048xf32, #tpu.memory_space<hbm>> -> memref<8x2048xf32, #tpu.memory_space<hbm>>
        tpu.wait_dma2 semaphore(%arg17 : memref<!tpu.dma_semaphore, #tpu.memory_space<semaphore_mem>>) src(%arg7 : memref<8x2048xf32, #tpu.memory_space<vmem>>) dst(%dma_wait3A_331 : memref<8x2048xf32, #tpu.memory_space<hbm>>)
        %dma_wait3A_332 = arith.constant 0 : i32
        %dma_wait3A_333 = arith.constant 0 : i32
        %dma_wait3A_334 = tpu.memref_slice %arg5[%dma_wait3A_332, %dma_wait3A_333] : memref<8192x2048xf32, #tpu.memory_space<hbm>> -> memref<8x2048xf32, #tpu.memory_space<hbm>>
        %dma_wait3A_335 = arith.constant 0 : i32
        %dma_wait3A_336 = arith.constant 0 : i32
        %dma_wait3A_337 = tpu.memref_slice %arg5[%dma_wait3A_335, %dma_wait3A_336] : memref<8192x2048xf32, #tpu.memory_space<hbm>> -> memref<8x2048xf32, #tpu.memory_space<hbm>>
        tpu.wait_dma2 semaphore(%arg18 : memref<!tpu.dma_semaphore, #tpu.memory_space<semaphore_mem>>) src(%arg8 : memref<8x2048xf32, #tpu.memory_space<vmem>>) dst(%dma_wait3A_337 : memref<8x2048xf32, #tpu.memory_space<hbm>>)
      } else {
      }
      %add3A_142 = arith.constant 1 : i32
      %add3A_143 = arith.addi %add3A_55, %add3A_142 : i32
      %lt3A_144 = arith.constant 8 : i32
      %lt3A_145 = arith.cmpi slt, %add3A_143, %lt3A_144 : i32
      %convert_element_type3A_146 = arith.extui %lt3A_145 : i1 to i32
      %cond3A_147 = arith.constant 0 : i32
      %cond3A_148 = arith.cmpi ne, %convert_element_type3A_146, %cond3A_147 : i32
      scf.if %cond3A_148 {
        %mul3A_326 = arith.constant 8 : i32
        %mul3A_327 = arith.muli %add3A_143, %mul3A_326 : i32
        %dma_start3A_328 = arith.constant 0 : i32
        %dma_start3A_329 = tpu.memref_slice %arg6[%dma_start3A_328, %mul3A_327] : memref<4x64xi32, #tpu.memory_space<vmem>> -> memref<1x8xi32, #tpu.memory_space<vmem>>
        %dma_start3A_330 = tpu.memref_squeeze %dma_start3A_329 : memref<1x8xi32, #tpu.memory_space<vmem>> -> memref<8xi32, #tpu.memory_space<vmem>>
        %dma_start3A_331 = arith.constant 0 : i32
        %dma_start3A_332 = arith.constant 0 : i32
        %dma_start3A_333 = tpu.memref_slice %arg3[%dma_start3A_331, %dma_start3A_332] : memref<100000x2048xf32, #tpu.memory_space<hbm>> -> memref<100000x2048xf32, #tpu.memory_space<hbm>>
        tpu.enqueue_indirect_dma source(%dma_start3A_333 : memref<100000x2048xf32, #tpu.memory_space<hbm>>) target(%arg7 : memref<8x2048xf32, #tpu.memory_space<vmem>>) offsets(%dma_start3A_330 : memref<8xi32, #tpu.memory_space<vmem>>) semaphore(%arg13 : memref<!tpu.dma_semaphore, #tpu.memory_space<semaphore_mem>>)
      } else {
      }
      %add3A_149 = arith.constant 1 : i32
      %add3A_150 = arith.addi %add3A_55, %add3A_149 : i32
      %lt3A_151 = arith.constant 8 : i32
      %lt3A_152 = arith.cmpi slt, %add3A_150, %lt3A_151 : i32
      %convert_element_type3A_153 = arith.extui %lt3A_152 : i1 to i32
      %cond3A_154 = arith.constant 0 : i32
      %cond3A_155 = arith.cmpi ne, %convert_element_type3A_153, %cond3A_154 : i32
      scf.if %cond3A_155 {
        %mul3A_326 = arith.constant 8 : i32
        %mul3A_327 = arith.muli %add3A_150, %mul3A_326 : i32
        %dma_start3A_328 = arith.constant 1 : i32
        %dma_start3A_329 = tpu.memref_slice %arg6[%dma_start3A_328, %mul3A_327] : memref<4x64xi32, #tpu.memory_space<vmem>> -> memref<1x8xi32, #tpu.memory_space<vmem>>
        %dma_start3A_330 = tpu.memref_squeeze %dma_start3A_329 : memref<1x8xi32, #tpu.memory_space<vmem>> -> memref<8xi32, #tpu.memory_space<vmem>>
        %dma_start3A_331 = arith.constant 0 : i32
        %dma_start3A_332 = arith.constant 0 : i32
        %dma_start3A_333 = tpu.memref_slice %arg3[%dma_start3A_331, %dma_start3A_332] : memref<100000x2048xf32, #tpu.memory_space<hbm>> -> memref<100000x2048xf32, #tpu.memory_space<hbm>>
        tpu.enqueue_indirect_dma source(%dma_start3A_333 : memref<100000x2048xf32, #tpu.memory_space<hbm>>) target(%arg8 : memref<8x2048xf32, #tpu.memory_space<vmem>>) offsets(%dma_start3A_330 : memref<8xi32, #tpu.memory_space<vmem>>) semaphore(%arg14 : memref<!tpu.dma_semaphore, #tpu.memory_space<semaphore_mem>>)
      } else {
      }
      %scan3A_156 = arith.constant 0 : i32
      %scan3A_157 = arith.constant 0 : i32
      %scan3A_158 = arith.constant 8 : i32
      %scan3A_159 = arith.addi %scan3A_157, %scan3A_158 : i32
      %scan3A_160 = arith.constant 1 : i32
      scf.for %scan3A_326 = %scan3A_157 to %scan3A_159 step %scan3A_160  : i32 {
        %parallel_loop3A = arith.constant 0 : i32
        %parallel_loop3A_327 = arith.constant 2048 : i32
        %parallel_loop3A_328 = arith.constant 16 : i32
        scf.for %parallel_loop3A_329 = %parallel_loop3A to %parallel_loop3A_327 step %parallel_loop3A_328  : i32 {
          %parallel_loop3A_330 = arith.index_cast %scan3A_326 : i32 to index
          %parallel_loop3A_331 = arith.index_cast %parallel_loop3A_329 : i32 to index
          %parallel_loop3A_332 = tpu.vector_load %arg11[%parallel_loop3A_330, %parallel_loop3A_331] {strides = array<i32>} : memref<8x2048xf32, #tpu.memory_space<vmem>>, vector<1x16xf32>,
          %parallel_loop3A_333 = vector.shape_cast %parallel_loop3A_332 : vector<1x16xf32> to vector<16xf32>
          %parallel_loop3A_334 = arith.index_cast %scan3A_326 : i32 to index
          %parallel_loop3A_335 = arith.index_cast %parallel_loop3A_329 : i32 to index
          %parallel_loop3A_336 = tpu.vector_load %arg9[%parallel_loop3A_334, %parallel_loop3A_335] {strides = array<i32>} : memref<8x2048xf32, #tpu.memory_space<vmem>>, vector<1x16xf32>,
          %parallel_loop3A_337 = vector.shape_cast %parallel_loop3A_336 : vector<1x16xf32> to vector<16xf32>
          %parallel_loop3A_338 = vector.shape_cast %parallel_loop3A_333 : vector<16xf32> to vector<1x16xf32>
          tpu.vector_store %arg9[%parallel_loop3A_334, %parallel_loop3A_335], %parallel_loop3A_338 {add = true, strides = array<i32>} : memref<8x2048xf32, #tpu.memory_space<vmem>>, vector<1x16xf32>,
          %parallel_loop3A_339 = arith.index_cast %scan3A_326 : i32 to index
          %parallel_loop3A_340 = arith.index_cast %parallel_loop3A_329 : i32 to index
          %parallel_loop3A_341 = tpu.vector_load %arg10[%parallel_loop3A_339, %parallel_loop3A_340] {strides = array<i32>} : memref<8x2048xf32, #tpu.memory_space<vmem>>, vector<1x16xf32>,
          %parallel_loop3A_342 = vector.shape_cast %parallel_loop3A_341 : vector<1x16xf32> to vector<16xf32>
          %parallel_loop3A_343 = vector.shape_cast %parallel_loop3A_333 : vector<16xf32> to vector<1x16xf32>
          tpu.vector_store %arg10[%parallel_loop3A_339, %parallel_loop3A_340], %parallel_loop3A_343 {add = true, strides = array<i32>} : memref<8x2048xf32, #tpu.memory_space<vmem>>, vector<1x16xf32>,
        } {sc.loop_unroll_factor = 8 : i64, sc.parallel_access}
      }
      %scan3A_161 = arith.constant 8 : i32
      %add3A_162 = arith.constant 4096 : i32
      %add3A_163 = arith.addi %add3A_162, %mul3A_2 : i32
      %mul3A_164 = arith.constant 8 : i32
      %mul3A_165 = arith.muli %add3A_55, %mul3A_164 : i32
      %add3A_166 = arith.addi %add3A_163, %mul3A_165 : i32
      %dma_start3A_167 = arith.constant 0 : i32
      %dma_start3A_168 = tpu.memref_slice %arg5[%add3A_166, %dma_start3A_167] : memref<8192x2048xf32, #tpu.memory_space<hbm>> -> memref<8x2048xf32, #tpu.memory_space<hbm>>
      %dma_start3A_169 = arith.constant 0 : i32
      %dma_start3A_170 = tpu.memref_slice %arg5[%add3A_166, %dma_start3A_169] : memref<8192x2048xf32, #tpu.memory_space<hbm>> -> memref<8x2048xf32, #tpu.memory_space<hbm>>
      tpu.enqueue_dma source(%arg9 : memref<8x2048xf32, #tpu.memory_space<vmem>>) target(%dma_start3A_170 : memref<8x2048xf32, #tpu.memory_space<hbm>>) target_semaphore(%arg19 : memref<!tpu.dma_semaphore, #tpu.memory_space<semaphore_mem>>)
      %add3A_171 = arith.constant 6144 : i32
      %add3A_172 = arith.addi %add3A_171, %mul3A_2 : i32
      %mul3A_173 = arith.constant 8 : i32
      %mul3A_174 = arith.muli %add3A_55, %mul3A_173 : i32
      %add3A_175 = arith.addi %add3A_172, %mul3A_174 : i32
      %dma_start3A_176 = arith.constant 0 : i32
      %dma_start3A_177 = tpu.memref_slice %arg5[%add3A_175, %dma_start3A_176] : memref<8192x2048xf32, #tpu.memory_space<hbm>> -> memref<8x2048xf32, #tpu.memory_space<hbm>>
      %dma_start3A_178 = arith.constant 0 : i32
      %dma_start3A_179 = tpu.memref_slice %arg5[%add3A_175, %dma_start3A_178] : memref<8192x2048xf32, #tpu.memory_space<hbm>> -> memref<8x2048xf32, #tpu.memory_space<hbm>>
      tpu.enqueue_dma source(%arg10 : memref<8x2048xf32, #tpu.memory_space<vmem>>) target(%dma_start3A_179 : memref<8x2048xf32, #tpu.memory_space<hbm>>) target_semaphore(%arg20 : memref<!tpu.dma_semaphore, #tpu.memory_space<semaphore_mem>>)
      %add3A_180 = arith.constant 2 : i32
      %add3A_181 = arith.addi %add3A_55, %add3A_180 : i32
      %lt3A_182 = arith.constant 8 : i32
      %lt3A_183 = arith.cmpi slt, %add3A_181, %lt3A_182 : i32
      %convert_element_type3A_184 = arith.extui %lt3A_183 : i1 to i32
      %cond3A_185 = arith.constant 0 : i32
      %cond3A_186 = arith.cmpi ne, %convert_element_type3A_184, %cond3A_185 : i32
      scf.if %cond3A_186 {
        %add3A_326 = arith.constant 2 : i32
        %add3A_327 = arith.addi %add3A_55, %add3A_326 : i32
        %mul3A_328 = arith.constant 8 : i32
        %mul3A_329 = arith.muli %add3A_327, %mul3A_328 : i32
        %add3A_330 = arith.addi %mul3A_2, %mul3A_329 : i32
        %dma_start3A_331 = arith.constant 0 : i32
        %dma_start3A_332 = tpu.memref_slice %arg4[%add3A_330, %dma_start3A_331] : memref<2048x2048xf32, #tpu.memory_space<hbm>> -> memref<8x2048xf32, #tpu.memory_space<hbm>>
        %dma_start3A_333 = arith.constant 0 : i32
        %dma_start3A_334 = tpu.memref_slice %arg4[%add3A_330, %dma_start3A_333] : memref<2048x2048xf32, #tpu.memory_space<hbm>> -> memref<8x2048xf32, #tpu.memory_space<hbm>>
        tpu.enqueue_dma source(%dma_start3A_334 : memref<8x2048xf32, #tpu.memory_space<hbm>>) target(%arg11 : memref<8x2048xf32, #tpu.memory_space<vmem>>) target_semaphore(%arg21 : memref<!tpu.dma_semaphore, #tpu.memory_space<semaphore_mem>>)
      } else {
      }
      %mul3A_187 = arith.constant 2 : i32
      %mul3A_188 = arith.muli %scan3A_51, %mul3A_187 : i32
      %add3A_189 = arith.constant 1 : i32
      %add3A_190 = arith.addi %mul3A_188, %add3A_189 : i32
      %dma_wait3A_191 = arith.constant 0 : i32
      %dma_wait3A_192 = arith.constant 0 : i32
      %dma_wait3A_193 = tpu.memref_slice %arg4[%dma_wait3A_191, %dma_wait3A_192] : memref<2048x2048xf32, #tpu.memory_space<hbm>> -> memref<8x2048xf32, #tpu.memory_space<hbm>>
      %dma_wait3A_194 = arith.constant 0 : i32
      %dma_wait3A_195 = arith.constant 0 : i32
      %dma_wait3A_196 = tpu.memref_slice %arg4[%dma_wait3A_194, %dma_wait3A_195] : memref<2048x2048xf32, #tpu.memory_space<hbm>> -> memref<8x2048xf32, #tpu.memory_space<hbm>>
      tpu.wait_dma2 semaphore(%arg22 : memref<!tpu.dma_semaphore, #tpu.memory_space<semaphore_mem>>) src(%dma_wait3A_196 : memref<8x2048xf32, #tpu.memory_space<hbm>>) dst(%arg12 : memref<8x2048xf32, #tpu.memory_space<vmem>>)
      %mul3A_197 = arith.constant 4 : i32
      %mul3A_198 = arith.muli %add3A_190, %mul3A_197 : i32
      %add3A_199 = arith.constant 0 : i32
      %add3A_200 = arith.addi %mul3A_198, %add3A_199 : i32
      %dma_wait3A_201 = arith.constant 0 : i32
      %dma_wait3A_202 = arith.constant 0 : i32
      %dma_wait3A_203 = tpu.memref_slice %arg6[%dma_wait3A_201, %dma_wait3A_202] : memref<4x64xi32, #tpu.memory_space<vmem>> -> memref<1x8xi32, #tpu.memory_space<vmem>>
      %dma_wait3A_204 = tpu.memref_squeeze %dma_wait3A_203 : memref<1x8xi32, #tpu.memory_space<vmem>> -> memref<8xi32, #tpu.memory_space<vmem>>
      %dma_wait3A_205 = arith.constant 0 : i32
      %dma_wait3A_206 = arith.constant 0 : i32
      %dma_wait3A_207 = tpu.memref_slice %arg3[%dma_wait3A_205, %dma_wait3A_206] : memref<100000x2048xf32, #tpu.memory_space<hbm>> -> memref<100000x2048xf32, #tpu.memory_space<hbm>>
      tpu.wait_indirect_dma semaphore(%arg13 : memref<!tpu.dma_semaphore, #tpu.memory_space<semaphore_mem>>) src(%dma_wait3A_207 : memref<100000x2048xf32, #tpu.memory_space<hbm>>) dst(%arg7 : memref<8x2048xf32, #tpu.memory_space<vmem>>)
      %dma_wait3A_208 = arith.constant 0 : i32
      %dma_wait3A_209 = arith.constant 0 : i32
      %dma_wait3A_210 = tpu.memref_slice %arg6[%dma_wait3A_208, %dma_wait3A_209] : memref<4x64xi32, #tpu.memory_space<vmem>> -> memref<1x8xi32, #tpu.memory_space<vmem>>
      %dma_wait3A_211 = tpu.memref_squeeze %dma_wait3A_210 : memref<1x8xi32, #tpu.memory_space<vmem>> -> memref<8xi32, #tpu.memory_space<vmem>>
      %dma_wait3A_212 = arith.constant 0 : i32
      %dma_wait3A_213 = arith.constant 0 : i32
      %dma_wait3A_214 = tpu.memref_slice %arg3[%dma_wait3A_212, %dma_wait3A_213] : memref<100000x2048xf32, #tpu.memory_space<hbm>> -> memref<100000x2048xf32, #tpu.memory_space<hbm>>
      tpu.wait_indirect_dma semaphore(%arg14 : memref<!tpu.dma_semaphore, #tpu.memory_space<semaphore_mem>>) src(%dma_wait3A_214 : memref<100000x2048xf32, #tpu.memory_space<hbm>>) dst(%arg8 : memref<8x2048xf32, #tpu.memory_space<vmem>>)
      %ge3A_215 = arith.constant 2 : i32
      %ge3A_216 = arith.cmpi sge, %add3A_200, %ge3A_215 : i32
      %convert_element_type3A_217 = arith.extui %ge3A_216 : i1 to i32
      %cond3A_218 = arith.constant 0 : i32
      %cond3A_219 = arith.cmpi ne, %convert_element_type3A_217, %cond3A_218 : i32
      scf.if %cond3A_219 {
        %dma_wait3A_326 = arith.constant 0 : i32
        %dma_wait3A_327 = arith.constant 0 : i32
        %dma_wait3A_328 = tpu.memref_slice %arg5[%dma_wait3A_326, %dma_wait3A_327] : memref<8192x2048xf32, #tpu.memory_space<hbm>> -> memref<8x2048xf32, #tpu.memory_space<hbm>>
        %dma_wait3A_329 = arith.constant 0 : i32
        %dma_wait3A_330 = arith.constant 0 : i32
        %dma_wait3A_331 = tpu.memref_slice %arg5[%dma_wait3A_329, %dma_wait3A_330] : memref<8192x2048xf32, #tpu.memory_space<hbm>> -> memref<8x2048xf32, #tpu.memory_space<hbm>>
        tpu.wait_dma2 semaphore(%arg19 : memref<!tpu.dma_semaphore, #tpu.memory_space<semaphore_mem>>) src(%arg9 : memref<8x2048xf32, #tpu.memory_space<vmem>>) dst(%dma_wait3A_331 : memref<8x2048xf32, #tpu.memory_space<hbm>>)
        %dma_wait3A_332 = arith.constant 0 : i32
        %dma_wait3A_333 = arith.constant 0 : i32
        %dma_wait3A_334 = tpu.memref_slice %arg5[%dma_wait3A_332, %dma_wait3A_333] : memref<8192x2048xf32, #tpu.memory_space<hbm>> -> memref<8x2048xf32, #tpu.memory_space<hbm>>
        %dma_wait3A_335 = arith.constant 0 : i32
        %dma_wait3A_336 = arith.constant 0 : i32
        %dma_wait3A_337 = tpu.memref_slice %arg5[%dma_wait3A_335, %dma_wait3A_336] : memref<8192x2048xf32, #tpu.memory_space<hbm>> -> memref<8x2048xf32, #tpu.memory_space<hbm>>
        tpu.wait_dma2 semaphore(%arg20 : memref<!tpu.dma_semaphore, #tpu.memory_space<semaphore_mem>>) src(%arg10 : memref<8x2048xf32, #tpu.memory_space<vmem>>) dst(%dma_wait3A_337 : memref<8x2048xf32, #tpu.memory_space<hbm>>)
      } else {
      }
      %add3A_220 = arith.constant 0 : i32
      %add3A_221 = arith.addi %add3A_190, %add3A_220 : i32
      %lt3A_222 = arith.constant 8 : i32
      %lt3A_223 = arith.cmpi slt, %add3A_221, %lt3A_222 : i32
      %convert_element_type3A_224 = arith.extui %lt3A_223 : i1 to i32
      %cond3A_225 = arith.constant 0 : i32
      %cond3A_226 = arith.cmpi ne, %convert_element_type3A_224, %cond3A_225 : i32
      scf.if %cond3A_226 {
        %mul3A_326 = arith.constant 8 : i32
        %mul3A_327 = arith.muli %add3A_221, %mul3A_326 : i32
        %dma_start3A_328 = arith.constant 2 : i32
        %dma_start3A_329 = tpu.memref_slice %arg6[%dma_start3A_328, %mul3A_327] : memref<4x64xi32, #tpu.memory_space<vmem>> -> memref<1x8xi32, #tpu.memory_space<vmem>>
        %dma_start3A_330 = tpu.memref_squeeze %dma_start3A_329 : memref<1x8xi32, #tpu.memory_space<vmem>> -> memref<8xi32, #tpu.memory_space<vmem>>
        %dma_start3A_331 = arith.constant 0 : i32
        %dma_start3A_332 = arith.constant 0 : i32
        %dma_start3A_333 = tpu.memref_slice %arg3[%dma_start3A_331, %dma_start3A_332] : memref<100000x2048xf32, #tpu.memory_space<hbm>> -> memref<100000x2048xf32, #tpu.memory_space<hbm>>
        tpu.enqueue_indirect_dma source(%dma_start3A_333 : memref<100000x2048xf32, #tpu.memory_space<hbm>>) target(%arg9 : memref<8x2048xf32, #tpu.memory_space<vmem>>) offsets(%dma_start3A_330 : memref<8xi32, #tpu.memory_space<vmem>>) semaphore(%arg15 : memref<!tpu.dma_semaphore, #tpu.memory_space<semaphore_mem>>)
      } else {
      }
      %add3A_227 = arith.constant 0 : i32
      %add3A_228 = arith.addi %add3A_190, %add3A_227 : i32
      %lt3A_229 = arith.constant 8 : i32
      %lt3A_230 = arith.cmpi slt, %add3A_228, %lt3A_229 : i32
      %convert_element_type3A_231 = arith.extui %lt3A_230 : i1 to i32
      %cond3A_232 = arith.constant 0 : i32
      %cond3A_233 = arith.cmpi ne, %convert_element_type3A_231, %cond3A_232 : i32
      scf.if %cond3A_233 {
        %mul3A_326 = arith.constant 8 : i32
        %mul3A_327 = arith.muli %add3A_228, %mul3A_326 : i32
        %dma_start3A_328 = arith.constant 3 : i32
        %dma_start3A_329 = tpu.memref_slice %arg6[%dma_start3A_328, %mul3A_327] : memref<4x64xi32, #tpu.memory_space<vmem>> -> memref<1x8xi32, #tpu.memory_space<vmem>>
        %dma_start3A_330 = tpu.memref_squeeze %dma_start3A_329 : memref<1x8xi32, #tpu.memory_space<vmem>> -> memref<8xi32, #tpu.memory_space<vmem>>
        %dma_start3A_331 = arith.constant 0 : i32
        %dma_start3A_332 = arith.constant 0 : i32
        %dma_start3A_333 = tpu.memref_slice %arg3[%dma_start3A_331, %dma_start3A_332] : memref<100000x2048xf32, #tpu.memory_space<hbm>> -> memref<100000x2048xf32, #tpu.memory_space<hbm>>
        tpu.enqueue_indirect_dma source(%dma_start3A_333 : memref<100000x2048xf32, #tpu.memory_space<hbm>>) target(%arg10 : memref<8x2048xf32, #tpu.memory_space<vmem>>) offsets(%dma_start3A_330 : memref<8xi32, #tpu.memory_space<vmem>>) semaphore(%arg16 : memref<!tpu.dma_semaphore, #tpu.memory_space<semaphore_mem>>)
      } else {
      }
      %scan3A_234 = arith.constant 0 : i32
      %scan3A_235 = arith.constant 0 : i32
      %scan3A_236 = arith.constant 8 : i32
      %scan3A_237 = arith.addi %scan3A_235, %scan3A_236 : i32
      %scan3A_238 = arith.constant 1 : i32
      scf.for %scan3A_326 = %scan3A_235 to %scan3A_237 step %scan3A_238  : i32 {
        %parallel_loop3A = arith.constant 0 : i32
        %parallel_loop3A_327 = arith.constant 2048 : i32
        %parallel_loop3A_328 = arith.constant 16 : i32
        scf.for %parallel_loop3A_329 = %parallel_loop3A to %parallel_loop3A_327 step %parallel_loop3A_328  : i32 {
          %parallel_loop3A_330 = arith.index_cast %scan3A_326 : i32 to index
          %parallel_loop3A_331 = arith.index_cast %parallel_loop3A_329 : i32 to index
          %parallel_loop3A_332 = tpu.vector_load %arg12[%parallel_loop3A_330, %parallel_loop3A_331] {strides = array<i32>} : memref<8x2048xf32, #tpu.memory_space<vmem>>, vector<1x16xf32>,
          %parallel_loop3A_333 = vector.shape_cast %parallel_loop3A_332 : vector<1x16xf32> to vector<16xf32>
          %parallel_loop3A_334 = arith.index_cast %scan3A_326 : i32 to index
          %parallel_loop3A_335 = arith.index_cast %parallel_loop3A_329 : i32 to index
          %parallel_loop3A_336 = tpu.vector_load %arg7[%parallel_loop3A_334, %parallel_loop3A_335] {strides = array<i32>} : memref<8x2048xf32, #tpu.memory_space<vmem>>, vector<1x16xf32>,
          %parallel_loop3A_337 = vector.shape_cast %parallel_loop3A_336 : vector<1x16xf32> to vector<16xf32>
          %parallel_loop3A_338 = vector.shape_cast %parallel_loop3A_333 : vector<16xf32> to vector<1x16xf32>
          tpu.vector_store %arg7[%parallel_loop3A_334, %parallel_loop3A_335], %parallel_loop3A_338 {add = true, strides = array<i32>} : memref<8x2048xf32, #tpu.memory_space<vmem>>, vector<1x16xf32>,
          %parallel_loop3A_339 = arith.index_cast %scan3A_326 : i32 to index
          %parallel_loop3A_340 = arith.index_cast %parallel_loop3A_329 : i32 to index
          %parallel_loop3A_341 = tpu.vector_load %arg8[%parallel_loop3A_339, %parallel_loop3A_340] {strides = array<i32>} : memref<8x2048xf32, #tpu.memory_space<vmem>>, vector<1x16xf32>,
          %parallel_loop3A_342 = vector.shape_cast %parallel_loop3A_341 : vector<1x16xf32> to vector<16xf32>
          %parallel_loop3A_343 = vector.shape_cast %parallel_loop3A_333 : vector<16xf32> to vector<1x16xf32>
          tpu.vector_store %arg8[%parallel_loop3A_339, %parallel_loop3A_340], %parallel_loop3A_343 {add = true, strides = array<i32>} : memref<8x2048xf32, #tpu.memory_space<vmem>>, vector<1x16xf32>,
        } {sc.loop_unroll_factor = 8 : i64, sc.parallel_access}
      }
      %scan3A_239 = arith.constant 8 : i32
      %add3A_240 = arith.constant 0 : i32
      %add3A_241 = arith.addi %add3A_240, %mul3A_2 : i32
      %mul3A_242 = arith.constant 8 : i32
      %mul3A_243 = arith.muli %add3A_190, %mul3A_242 : i32
      %add3A_244 = arith.addi %add3A_241, %mul3A_243 : i32
      %dma_start3A_245 = arith.constant 0 : i32
      %dma_start3A_246 = tpu.memref_slice %arg5[%add3A_244, %dma_start3A_245] : memref<8192x2048xf32, #tpu.memory_space<hbm>> -> memref<8x2048xf32, #tpu.memory_space<hbm>>
      %dma_start3A_247 = arith.constant 0 : i32
      %dma_start3A_248 = tpu.memref_slice %arg5[%add3A_244, %dma_start3A_247] : memref<8192x2048xf32, #tpu.memory_space<hbm>> -> memref<8x2048xf32, #tpu.memory_space<hbm>>
      tpu.enqueue_dma source(%arg7 : memref<8x2048xf32, #tpu.memory_space<vmem>>) target(%dma_start3A_248 : memref<8x2048xf32, #tpu.memory_space<hbm>>) target_semaphore(%arg17 : memref<!tpu.dma_semaphore, #tpu.memory_space<semaphore_mem>>)
      %add3A_249 = arith.constant 2048 : i32
      %add3A_250 = arith.addi %add3A_249, %mul3A_2 : i32
      %mul3A_251 = arith.constant 8 : i32
      %mul3A_252 = arith.muli %add3A_190, %mul3A_251 : i32
      %add3A_253 = arith.addi %add3A_250, %mul3A_252 : i32
      %dma_start3A_254 = arith.constant 0 : i32
      %dma_start3A_255 = tpu.memref_slice %arg5[%add3A_253, %dma_start3A_254] : memref<8192x2048xf32, #tpu.memory_space<hbm>> -> memref<8x2048xf32, #tpu.memory_space<hbm>>
      %dma_start3A_256 = arith.constant 0 : i32
      %dma_start3A_257 = tpu.memref_slice %arg5[%add3A_253, %dma_start3A_256] : memref<8192x2048xf32, #tpu.memory_space<hbm>> -> memref<8x2048xf32, #tpu.memory_space<hbm>>
      tpu.enqueue_dma source(%arg8 : memref<8x2048xf32, #tpu.memory_space<vmem>>) target(%dma_start3A_257 : memref<8x2048xf32, #tpu.memory_space<hbm>>) target_semaphore(%arg18 : memref<!tpu.dma_semaphore, #tpu.memory_space<semaphore_mem>>)
      %mul3A_258 = arith.constant 4 : i32
      %mul3A_259 = arith.muli %add3A_190, %mul3A_258 : i32
      %add3A_260 = arith.constant 2 : i32
      %add3A_261 = arith.addi %mul3A_259, %add3A_260 : i32
      %dma_wait3A_262 = arith.constant 0 : i32
      %dma_wait3A_263 = arith.constant 0 : i32
      %dma_wait3A_264 = tpu.memref_slice %arg6[%dma_wait3A_262, %dma_wait3A_263] : memref<4x64xi32, #tpu.memory_space<vmem>> -> memref<1x8xi32, #tpu.memory_space<vmem>>
      %dma_wait3A_265 = tpu.memref_squeeze %dma_wait3A_264 : memref<1x8xi32, #tpu.memory_space<vmem>> -> memref<8xi32, #tpu.memory_space<vmem>>
      %dma_wait3A_266 = arith.constant 0 : i32
      %dma_wait3A_267 = arith.constant 0 : i32
      %dma_wait3A_268 = tpu.memref_slice %arg3[%dma_wait3A_266, %dma_wait3A_267] : memref<100000x2048xf32, #tpu.memory_space<hbm>> -> memref<100000x2048xf32, #tpu.memory_space<hbm>>
      tpu.wait_indirect_dma semaphore(%arg15 : memref<!tpu.dma_semaphore, #tpu.memory_space<semaphore_mem>>) src(%dma_wait3A_268 : memref<100000x2048xf32, #tpu.memory_space<hbm>>) dst(%arg9 : memref<8x2048xf32, #tpu.memory_space<vmem>>)
      %dma_wait3A_269 = arith.constant 0 : i32
      %dma_wait3A_270 = arith.constant 0 : i32
      %dma_wait3A_271 = tpu.memref_slice %arg6[%dma_wait3A_269, %dma_wait3A_270] : memref<4x64xi32, #tpu.memory_space<vmem>> -> memref<1x8xi32, #tpu.memory_space<vmem>>
      %dma_wait3A_272 = tpu.memref_squeeze %dma_wait3A_271 : memref<1x8xi32, #tpu.memory_space<vmem>> -> memref<8xi32, #tpu.memory_space<vmem>>
      %dma_wait3A_273 = arith.constant 0 : i32
      %dma_wait3A_274 = arith.constant 0 : i32
      %dma_wait3A_275 = tpu.memref_slice %arg3[%dma_wait3A_273, %dma_wait3A_274] : memref<100000x2048xf32, #tpu.memory_space<hbm>> -> memref<100000x2048xf32, #tpu.memory_space<hbm>>
      tpu.wait_indirect_dma semaphore(%arg16 : memref<!tpu.dma_semaphore, #tpu.memory_space<semaphore_mem>>) src(%dma_wait3A_275 : memref<100000x2048xf32, #tpu.memory_space<hbm>>) dst(%arg10 : memref<8x2048xf32, #tpu.memory_space<vmem>>)
      %ge3A_276 = arith.constant 2 : i32
      %ge3A_277 = arith.cmpi sge, %add3A_261, %ge3A_276 : i32
      %convert_element_type3A_278 = arith.extui %ge3A_277 : i1 to i32
      %cond3A_279 = arith.constant 0 : i32
      %cond3A_280 = arith.cmpi ne, %convert_element_type3A_278, %cond3A_279 : i32
      scf.if %cond3A_280 {
        %dma_wait3A_326 = arith.constant 0 : i32
        %dma_wait3A_327 = arith.constant 0 : i32
        %dma_wait3A_328 = tpu.memref_slice %arg5[%dma_wait3A_326, %dma_wait3A_327] : memref<8192x2048xf32, #tpu.memory_space<hbm>> -> memref<8x2048xf32, #tpu.memory_space<hbm>>
        %dma_wait3A_329 = arith.constant 0 : i32
        %dma_wait3A_330 = arith.constant 0 : i32
        %dma_wait3A_331 = tpu.memref_slice %arg5[%dma_wait3A_329, %dma_wait3A_330] : memref<8192x2048xf32, #tpu.memory_space<hbm>> -> memref<8x2048xf32, #tpu.memory_space<hbm>>
        tpu.wait_dma2 semaphore(%arg17 : memref<!tpu.dma_semaphore, #tpu.memory_space<semaphore_mem>>) src(%arg7 : memref<8x2048xf32, #tpu.memory_space<vmem>>) dst(%dma_wait3A_331 : memref<8x2048xf32, #tpu.memory_space<hbm>>)
        %dma_wait3A_332 = arith.constant 0 : i32
        %dma_wait3A_333 = arith.constant 0 : i32
        %dma_wait3A_334 = tpu.memref_slice %arg5[%dma_wait3A_332, %dma_wait3A_333] : memref<8192x2048xf32, #tpu.memory_space<hbm>> -> memref<8x2048xf32, #tpu.memory_space<hbm>>
        %dma_wait3A_335 = arith.constant 0 : i32
        %dma_wait3A_336 = arith.constant 0 : i32
        %dma_wait3A_337 = tpu.memref_slice %arg5[%dma_wait3A_335, %dma_wait3A_336] : memref<8192x2048xf32, #tpu.memory_space<hbm>> -> memref<8x2048xf32, #tpu.memory_space<hbm>>
        tpu.wait_dma2 semaphore(%arg18 : memref<!tpu.dma_semaphore, #tpu.memory_space<semaphore_mem>>) src(%arg8 : memref<8x2048xf32, #tpu.memory_space<vmem>>) dst(%dma_wait3A_337 : memref<8x2048xf32, #tpu.memory_space<hbm>>)
      } else {
      }
      %add3A_281 = arith.constant 1 : i32
      %add3A_282 = arith.addi %add3A_190, %add3A_281 : i32
      %lt3A_283 = arith.constant 8 : i32
      %lt3A_284 = arith.cmpi slt, %add3A_282, %lt3A_283 : i32
      %convert_element_type3A_285 = arith.extui %lt3A_284 : i1 to i32
      %cond3A_286 = arith.constant 0 : i32
      %cond3A_287 = arith.cmpi ne, %convert_element_type3A_285, %cond3A_286 : i32
      scf.if %cond3A_287 {
        %mul3A_326 = arith.constant 8 : i32
        %mul3A_327 = arith.muli %add3A_282, %mul3A_326 : i32
        %dma_start3A_328 = arith.constant 0 : i32
        %dma_start3A_329 = tpu.memref_slice %arg6[%dma_start3A_328, %mul3A_327] : memref<4x64xi32, #tpu.memory_space<vmem>> -> memref<1x8xi32, #tpu.memory_space<vmem>>
        %dma_start3A_330 = tpu.memref_squeeze %dma_start3A_329 : memref<1x8xi32, #tpu.memory_space<vmem>> -> memref<8xi32, #tpu.memory_space<vmem>>
        %dma_start3A_331 = arith.constant 0 : i32
        %dma_start3A_332 = arith.constant 0 : i32
        %dma_start3A_333 = tpu.memref_slice %arg3[%dma_start3A_331, %dma_start3A_332] : memref<100000x2048xf32, #tpu.memory_space<hbm>> -> memref<100000x2048xf32, #tpu.memory_space<hbm>>
        tpu.enqueue_indirect_dma source(%dma_start3A_333 : memref<100000x2048xf32, #tpu.memory_space<hbm>>) target(%arg7 : memref<8x2048xf32, #tpu.memory_space<vmem>>) offsets(%dma_start3A_330 : memref<8xi32, #tpu.memory_space<vmem>>) semaphore(%arg13 : memref<!tpu.dma_semaphore, #tpu.memory_space<semaphore_mem>>)
      } else {
      }
      %add3A_288 = arith.constant 1 : i32
      %add3A_289 = arith.addi %add3A_190, %add3A_288 : i32
      %lt3A_290 = arith.constant 8 : i32
      %lt3A_291 = arith.cmpi slt, %add3A_289, %lt3A_290 : i32
      %convert_element_type3A_292 = arith.extui %lt3A_291 : i1 to i32
      %cond3A_293 = arith.constant 0 : i32
      %cond3A_294 = arith.cmpi ne, %convert_element_type3A_292, %cond3A_293 : i32
      scf.if %cond3A_294 {
        %mul3A_326 = arith.constant 8 : i32
        %mul3A_327 = arith.muli %add3A_289, %mul3A_326 : i32
        %dma_start3A_328 = arith.constant 1 : i32
        %dma_start3A_329 = tpu.memref_slice %arg6[%dma_start3A_328, %mul3A_327] : memref<4x64xi32, #tpu.memory_space<vmem>> -> memref<1x8xi32, #tpu.memory_space<vmem>>
        %dma_start3A_330 = tpu.memref_squeeze %dma_start3A_329 : memref<1x8xi32, #tpu.memory_space<vmem>> -> memref<8xi32, #tpu.memory_space<vmem>>
        %dma_start3A_331 = arith.constant 0 : i32
        %dma_start3A_332 = arith.constant 0 : i32
        %dma_start3A_333 = tpu.memref_slice %arg3[%dma_start3A_331, %dma_start3A_332] : memref<100000x2048xf32, #tpu.memory_space<hbm>> -> memref<100000x2048xf32, #tpu.memory_space<hbm>>
        tpu.enqueue_indirect_dma source(%dma_start3A_333 : memref<100000x2048xf32, #tpu.memory_space<hbm>>) target(%arg8 : memref<8x2048xf32, #tpu.memory_space<vmem>>) offsets(%dma_start3A_330 : memref<8xi32, #tpu.memory_space<vmem>>) semaphore(%arg14 : memref<!tpu.dma_semaphore, #tpu.memory_space<semaphore_mem>>)
      } else {
      }
      %scan3A_295 = arith.constant 0 : i32
      %scan3A_296 = arith.constant 0 : i32
      %scan3A_297 = arith.constant 8 : i32
      %scan3A_298 = arith.addi %scan3A_296, %scan3A_297 : i32
      %scan3A_299 = arith.constant 1 : i32
      scf.for %scan3A_326 = %scan3A_296 to %scan3A_298 step %scan3A_299  : i32 {
        %parallel_loop3A = arith.constant 0 : i32
        %parallel_loop3A_327 = arith.constant 2048 : i32
        %parallel_loop3A_328 = arith.constant 16 : i32
        scf.for %parallel_loop3A_329 = %parallel_loop3A to %parallel_loop3A_327 step %parallel_loop3A_328  : i32 {
          %parallel_loop3A_330 = arith.index_cast %scan3A_326 : i32 to index
          %parallel_loop3A_331 = arith.index_cast %parallel_loop3A_329 : i32 to index
          %parallel_loop3A_332 = tpu.vector_load %arg12[%parallel_loop3A_330, %parallel_loop3A_331] {strides = array<i32>} : memref<8x2048xf32, #tpu.memory_space<vmem>>, vector<1x16xf32>,
          %parallel_loop3A_333 = vector.shape_cast %parallel_loop3A_332 : vector<1x16xf32> to vector<16xf32>
          %parallel_loop3A_334 = arith.index_cast %scan3A_326 : i32 to index
          %parallel_loop3A_335 = arith.index_cast %parallel_loop3A_329 : i32 to index
          %parallel_loop3A_336 = tpu.vector_load %arg9[%parallel_loop3A_334, %parallel_loop3A_335] {strides = array<i32>} : memref<8x2048xf32, #tpu.memory_space<vmem>>, vector<1x16xf32>,
          %parallel_loop3A_337 = vector.shape_cast %parallel_loop3A_336 : vector<1x16xf32> to vector<16xf32>
          %parallel_loop3A_338 = vector.shape_cast %parallel_loop3A_333 : vector<16xf32> to vector<1x16xf32>
          tpu.vector_store %arg9[%parallel_loop3A_334, %parallel_loop3A_335], %parallel_loop3A_338 {add = true, strides = array<i32>} : memref<8x2048xf32, #tpu.memory_space<vmem>>, vector<1x16xf32>,
          %parallel_loop3A_339 = arith.index_cast %scan3A_326 : i32 to index
          %parallel_loop3A_340 = arith.index_cast %parallel_loop3A_329 : i32 to index
          %parallel_loop3A_341 = tpu.vector_load %arg10[%parallel_loop3A_339, %parallel_loop3A_340] {strides = array<i32>} : memref<8x2048xf32, #tpu.memory_space<vmem>>, vector<1x16xf32>,
          %parallel_loop3A_342 = vector.shape_cast %parallel_loop3A_341 : vector<1x16xf32> to vector<16xf32>
          %parallel_loop3A_343 = vector.shape_cast %parallel_loop3A_333 : vector<16xf32> to vector<1x16xf32>
          tpu.vector_store %arg10[%parallel_loop3A_339, %parallel_loop3A_340], %parallel_loop3A_343 {add = true, strides = array<i32>} : memref<8x2048xf32, #tpu.memory_space<vmem>>, vector<1x16xf32>,
        } {sc.loop_unroll_factor = 8 : i64, sc.parallel_access}
      }
      %scan3A_300 = arith.constant 8 : i32
      %add3A_301 = arith.constant 4096 : i32
      %add3A_302 = arith.addi %add3A_301, %mul3A_2 : i32
      %mul3A_303 = arith.constant 8 : i32
      %mul3A_304 = arith.muli %add3A_190, %mul3A_303 : i32
      %add3A_305 = arith.addi %add3A_302, %mul3A_304 : i32
      %dma_start3A_306 = arith.constant 0 : i32
      %dma_start3A_307 = tpu.memref_slice %arg5[%add3A_305, %dma_start3A_306] : memref<8192x2048xf32, #tpu.memory_space<hbm>> -> memref<8x2048xf32, #tpu.memory_space<hbm>>
      %dma_start3A_308 = arith.constant 0 : i32
      %dma_start3A_309 = tpu.memref_slice %arg5[%add3A_305, %dma_start3A_308] : memref<8192x2048xf32, #tpu.memory_space<hbm>> -> memref<8x2048xf32, #tpu.memory_space<hbm>>
      tpu.enqueue_dma source(%arg9 : memref<8x2048xf32, #tpu.memory_space<vmem>>) target(%dma_start3A_309 : memref<8x2048xf32, #tpu.memory_space<hbm>>) target_semaphore(%arg19 : memref<!tpu.dma_semaphore, #tpu.memory_space<semaphore_mem>>)
      %add3A_310 = arith.constant 6144 : i32
      %add3A_311 = arith.addi %add3A_310, %mul3A_2 : i32
      %mul3A_312 = arith.constant 8 : i32
      %mul3A_313 = arith.muli %add3A_190, %mul3A_312 : i32
      %add3A_314 = arith.addi %add3A_311, %mul3A_313 : i32
      %dma_start3A_315 = arith.constant 0 : i32
      %dma_start3A_316 = tpu.memref_slice %arg5[%add3A_314, %dma_start3A_315] : memref<8192x2048xf32, #tpu.memory_space<hbm>> -> memref<8x2048xf32, #tpu.memory_space<hbm>>
      %dma_start3A_317 = arith.constant 0 : i32
      %dma_start3A_318 = tpu.memref_slice %arg5[%add3A_314, %dma_start3A_317] : memref<8192x2048xf32, #tpu.memory_space<hbm>> -> memref<8x2048xf32, #tpu.memory_space<hbm>>
      tpu.enqueue_dma source(%arg10 : memref<8x2048xf32, #tpu.memory_space<vmem>>) target(%dma_start3A_318 : memref<8x2048xf32, #tpu.memory_space<hbm>>) target_semaphore(%arg20 : memref<!tpu.dma_semaphore, #tpu.memory_space<semaphore_mem>>)
      %add3A_319 = arith.constant 2 : i32
      %add3A_320 = arith.addi %add3A_190, %add3A_319 : i32
      %lt3A_321 = arith.constant 8 : i32
      %lt3A_322 = arith.cmpi slt, %add3A_320, %lt3A_321 : i32
      %convert_element_type3A_323 = arith.extui %lt3A_322 : i1 to i32
      %cond3A_324 = arith.constant 0 : i32
      %cond3A_325 = arith.cmpi ne, %convert_element_type3A_323, %cond3A_324 : i32
      scf.if %cond3A_325 {
        %add3A_326 = arith.constant 2 : i32
        %add3A_327 = arith.addi %add3A_190, %add3A_326 : i32
        %mul3A_328 = arith.constant 8 : i32
        %mul3A_329 = arith.muli %add3A_327, %mul3A_328 : i32
        %add3A_330 = arith.addi %mul3A_2, %mul3A_329 : i32
        %dma_start3A_331 = arith.constant 0 : i32
        %dma_start3A_332 = tpu.memref_slice %arg4[%add3A_330, %dma_start3A_331] : memref<2048x2048xf32, #tpu.memory_space<hbm>> -> memref<8x2048xf32, #tpu.memory_space<hbm>>
        %dma_start3A_333 = arith.constant 0 : i32
        %dma_start3A_334 = tpu.memref_slice %arg4[%add3A_330, %dma_start3A_333] : memref<2048x2048xf32, #tpu.memory_space<hbm>> -> memref<8x2048xf32, #tpu.memory_space<hbm>>
        tpu.enqueue_dma source(%dma_start3A_334 : memref<8x2048xf32, #tpu.memory_space<hbm>>) target(%arg12 : memref<8x2048xf32, #tpu.memory_space<vmem>>) target_semaphore(%arg22 : memref<!tpu.dma_semaphore, #tpu.memory_space<semaphore_mem>>)
      } else {
      }
    }
    %scan3A_39 = arith.constant 4 : i32
    %dma_wait3A = arith.constant 0 : i32
    %dma_wait3A_40 = arith.constant 0 : i32
    %dma_wait3A_41 = tpu.memref_slice %arg5[%dma_wait3A, %dma_wait3A_40] : memref<8192x2048xf32, #tpu.memory_space<hbm>> -> memref<8x2048xf32, #tpu.memory_space<hbm>>
    %dma_wait3A_42 = arith.constant 0 : i32
    %dma_wait3A_43 = arith.constant 0 : i32
    %dma_wait3A_44 = tpu.memref_slice %arg5[%dma_wait3A_42, %dma_wait3A_43] : memref<8192x2048xf32, #tpu.memory_space<hbm>> -> memref<8x2048xf32, #tpu.memory_space<hbm>>
    tpu.wait_dma2 semaphore(%arg19 : memref<!tpu.dma_semaphore, #tpu.memory_space<semaphore_mem>>) src(%arg9 : memref<8x2048xf32, #tpu.memory_space<vmem>>) dst(%dma_wait3A_44 : memref<8x2048xf32, #tpu.memory_space<hbm>>)
    %dma_wait3A_45 = arith.constant 0 : i32
    %dma_wait3A_46 = arith.constant 0 : i32
    %dma_wait3A_47 = tpu.memref_slice %arg5[%dma_wait3A_45, %dma_wait3A_46] : memref<8192x2048xf32, #tpu.memory_space<hbm>> -> memref<8x2048xf32, #tpu.memory_space<hbm>>
    %dma_wait3A_48 = arith.constant 0 : i32
    %dma_wait3A_49 = arith.constant 0 : i32
    %dma_wait3A_50 = tpu.memref_slice %arg5[%dma_wait3A_48, %dma_wait3A_49] : memref<8192x2048xf32, #tpu.memory_space<hbm>> -> memref<8x2048xf32, #tpu.memory_space<hbm>>
    tpu.wait_dma2 semaphore(%arg20 : memref<!tpu.dma_semaphore, #tpu.memory_space<semaphore_mem>>) src(%arg10 : memref<8x2048xf32, #tpu.memory_space<vmem>>) dst(%dma_wait3A_50 : memref<8x2048xf32, #tpu.memory_space<hbm>>)
    return
  }
}

</mosaic_0001>

<sc_bundles>
// kernel: kernel.3.cloned.1.call-start
scs
__scs_entry_jumppad:
0x0: {  	(pc) =	sbr.rel $0x88, $3  }
0x1: {  	(tag) =	ssettag $0x0;
	lr =	simm.s32 $0x1  }
0x2: {  	[smem:$0x3F9E] =	sst lr;
	_ =	strace $0xD0000000  }
0x3: {  	_ = 	snop  }
0x4: {  	_ = 	snop  }
0x5: {  	_ = 	snop  }
0x6: {  	_ = 	snop  }
0x7: {  	_ = 	snop  }
__scs_overlays_trampoline_lowered:
0x8: {  	[smem:$0x3FAD] =	sst s0  }
0x9: {  	[smem:$0x3FAE] =	sst s1  }
0xa: {  	[smem:$0x3FAF] =	sst s2  }
0xb: {  	[smem:$0x3FB0] =	sst s3  }
0xc: {  	[smem:$0x3FB1] =	sst s4  }
0xd: {  	[smem:$0x3FB2] =	sst s5  }
0xe: {  	[smem:$0x3FB3] =	sst s6  }
0xf: {  	[smem:$0x3FB4] =	sst s7  }
0x10: {  	[smem:$0x3FB5] =	sst s8  }
0x11: {  	[smem:$0x3FB6] =	sst s9;
	s0 =	simm.s32 @!p0 $0x0  }
0x12: {  	s1 =	sld [smem:$0x3F9C];
	s0 =	simm.s32 @p0 $0x1  }
0x13: {  	[smem:$0x3FB7] =	sst s0;
	s0 =	simm.s32 @!p1 $0x0  }
0x14: {  	s2 =	sld [smem:$0x3F9B];
	s0 =	simm.s32 @p1 $0x1  }
0x15: {  	[smem:$0x3FB8] =	sst s0;
	s0 =	simm.s32 @!p2 $0x0  }
0x16: {  	s3 =	sld [smem:$0x3FDB];
	s0 =	simm.s32 @p2 $0x1  }
0x17: {  	s4 =	simm.s32 $0x1BF5;
	[smem:$0x3FBA] =	sst s0  }
0x18: {  	s0 =	sld [smem:$0x3F9D];
	_ =	swait.ge [sflag:s4], $0x0  }
0x19: {  	s7 =	sld [smem:$0x3F9E]  }
0x1a: {  	s8 =	sadd.s32 $0xFFFFE003, lr  }
0x1b: {  	s9 =	sadd.s32 $0xFFFFFEF7, lr;
	s5 =	simm.s32 $0xFFFFFFFF;
	p2 =	slt.u32 s8, $0xFFFFF086  }
0x1c: {  	p1 =	slt.u32 s9, $0xF7A;
	s5 =	simm.s32 @!p2 $0x0  }
0x1d: {  	s5 =	simm.s32 @p1 $0x1;
	p0 =	seq.s32 s7, s2  }
0x1e: {  	s7 =	smul.u32 @!p0 $0xF7A, s2;
	p2 =	seq.s32 @!p0 s5, $0x0  }
0x1f: {  	s9 =	smul.u32 $0xF7A, s1;
	s8 =	simm.s32 @!p0 $0x1BF5;
	p2 =	por !p2, p0  }
0x20: {  	[sflag:s8] =	ssyncset.s32 @!p0 $0xFFFFF086;
	s6 =	sadd.s32 @!p0 s3, s7;
	s7 =	simm.s32 @!p0 $0x108  }
0x21: {  	s3 =	sadd.s32 s3, s9;
	s6 =	sadd.s32 @!p0 $0x88, s6;
	s7 =	simm.s32 @p2 $0x1082  }
0x22: {  	[simem:s7], [sflag:s8] =	dma.local @!p0 [hbm:s6], $0xF7A  }
0x23: {  	s9 =	sor.u32 $0xD0000000, s2;
	s6 =	simm.s32 $0x108;
	_ =	swait.ge @!p0 [sflag:s8], $0x0  }
0x24: {  	s3 =	sadd.s32 $0x88, s3;
	s6 =	simm.s32 @!p1 $0x1082;
	[sflag:s4] =	ssyncset.s32 $0xFFFFF086  }
0x25: {  	[simem:s6], [sflag:s4] =	dma.local [hbm:s3], $0xF7A  }
0x26: {  	[smem:$0x3F9E] =	sst s1;
	(tag) =	ssettag s2;
	_ =	strace s9  }
0x27: {  	s1 =	sld [smem:$0x3FAE]  }
0x28: {  	s2 =	sld [smem:$0x3FAF]  }
0x29: {  	s4 =	sld [smem:$0x3FB1]  }
0x2a: {  	p0 =	seq.s32 s5, $0x0;
	s5 =	sld [smem:$0x3FB2]  }
0x2b: {  	s6 =	sld [smem:$0x3FB3]  }
0x2c: {  	s7 =	sld [smem:$0x3FB4]  }
0x2d: {  	s3 =	simm.s32 $0x108;
	s8 =	sld [smem:$0x3FB5]  }
0x2e: {  	s3 =	simm.s32 @!p0 $0x1082;
	s9 =	sld [smem:$0x3FB6]  }
0x2f: {  	lr =	sadd.s32 s0, s3;
	s0 =	sld [smem:$0x3FAD]  }
0x30: {  	s3 =	sld [smem:$0x3FB0]  }
0x31: {  	[smem:$0x3FB9] =	sst s10  }
0x32: {  	s10 =	sld [smem:$0x3FB7];
	_ =	sdelay $0x3  }
0x33: {  	p0 =	seq.s32 s10, $0x1;
	s10 =	sld [smem:$0x3FB9];
	_ =	sdelay $0x3  }
0x34: {  	[smem:$0x3FB9] =	sst s10  }
0x35: {  	s10 =	sld [smem:$0x3FB8];
	_ =	sdelay $0x3  }
0x36: {  	p1 =	seq.s32 s10, $0x1;
	s10 =	sld [smem:$0x3FB9];
	_ =	sdelay $0x3  }
0x37: {  	[smem:$0x3FB9] =	sst s10  }
0x38: {  	s10 =	sld [smem:$0x3FBA]  }
0x39: {  	_ = 	snop;
	(pc) =	sbr.ind lr, $3  }
0x3a: {  	_ = 	snop  }
0x3b: {  	_ = 	snop  }
0x3c: {  	p2 =	seq.s32 s10, $0x1;
	s10 =	sld [smem:$0x3FB9]  }
0x3d: {  	_ =	shalt  }
0x3e: {  	_ =	shalt  }
0x3f: {  	_ =	shalt  }
0x40: {  	_ =	shalt  }
0x41: {  	_ =	shalt  }
0x42: {  	_ =	shalt  }
0x43: {  	_ =	shalt  }
0x44: {  	_ =	shalt  }
0x45: {  	_ =	shalt  }
0x46: {  	_ =	shalt  }
0x47: {  	_ =	shalt  }
0x48: {  	_ =	shalt  }
0x49: {  	_ =	shalt  }
0x4a: {  	_ =	shalt  }
0x4b: {  	_ =	shalt  }
0x4c: {  	_ =	shalt  }
0x4d: {  	_ =	shalt  }
0x4e: {  	_ =	shalt  }
0x4f: {  	_ =	shalt  }
0x50: {  	_ =	shalt  }
0x51: {  	_ =	shalt  }
0x52: {  	_ =	shalt  }
0x53: {  	_ =	shalt  }
0x54: {  	_ =	shalt  }
0x55: {  	_ =	shalt  }
0x56: {  	_ =	shalt  }
0x57: {  	_ =	shalt  }
0x58: {  	_ =	shalt  }
0x59: {  	_ =	shalt  }
0x5a: {  	_ =	shalt  }
0x5b: {  	_ =	shalt  }
0x5c: {  	_ =	shalt  }
0x5d: {  	_ =	shalt  }
0x5e: {  	_ =	shalt  }
0x5f: {  	_ =	shalt  }
0x60: {  	_ =	shalt  }
0x61: {  	_ =	shalt  }
0x62: {  	_ =	shalt  }
0x63: {  	_ =	shalt  }
0x64: {  	_ =	shalt  }
0x65: {  	_ =	shalt  }
0x66: {  	_ =	shalt  }
0x67: {  	_ =	shalt  }
0x68: {  	_ =	shalt  }
0x69: {  	_ =	shalt  }
0x6a: {  	_ =	shalt  }
0x6b: {  	_ =	shalt  }
0x6c: {  	_ =	shalt  }
0x6d: {  	_ =	shalt  }
0x6e: {  	_ =	shalt  }
0x6f: {  	_ =	shalt  }
0x70: {  	_ =	shalt  }
0x71: {  	_ =	shalt  }
0x72: {  	_ =	shalt  }
0x73: {  	_ =	shalt  }
0x74: {  	_ =	shalt  }
0x75: {  	_ =	shalt  }
0x76: {  	_ =	shalt  }
0x77: {  	_ =	shalt  }
0x78: {  	_ =	shalt  }
0x79: {  	_ =	shalt  }
0x7a: {  	_ =	shalt  }
0x7b: {  	_ =	shalt  }
0x7c: {  	_ =	shalt  }
0x7d: {  	_ =	shalt  }
0x7e: {  	_ =	shalt  }
0x7f: {  	_ =	shalt  }
0x80: {  	_ =	shalt  }
0x81: {  	_ =	shalt  }
0x82: {  	_ =	shalt  }
0x83: {  	_ =	shalt  }
0x84: {  	_ =	shalt  }
0x85: {  	_ =	shalt  }
0x86: {  	_ =	shalt  }
0x87: {  	_ =	shalt  }
.Lfunc_end0:
.L_simem_size_0:
called_computation_lowered:
.L_overlay_start_0:
0x88: {  	s2 =	sld [smem:$0x3FD9]  }
0x89: {  	s3 =	sld [smem:$0x3FFE];
	_ =	sdelay $0x1  }
0x8a: {  	s1 =	srdreg.scid  }
0x8b: {  	s0 =	sand.u32 $0x1, s1  }
0x8c: {  	s18 =	sshll.u32 s0, $0xA;
	s2 =	sadd.s32 s3, s2  }
0x8d: {  	s2 =	sadd.s32 s2, s18  }
0x8e: {  	[smem:$0x3FC5] =	sst s2  }
0x8f: {  	_ = 	snop  }
0x90: {  	s2 =	sld [smem:$0x3FC9]  }
0x91: {  	s19 =	sld [smem:$0x3FC8]  }
0x92: {  	s4 =	sld [smem:$0x3FC7]  }
0x93: {  	s5 =	sld [smem:$0x3FD0];
	(tm) =	ssettm $0x1  }
0x94: {  	s6 =	sld [smem:$0x3FFB];
	_ =	sdelay $0x3  }
0x95: {  	_ =	strace s6  }
0x96: {  	s6 =	sld [smem:$0x3FFC];
	_ =	sdelay $0x3  }
0x97: {  	_ =	strace s6  }
0x98: {  	s6 =	sld [smem:$0x3FFD];
	_ =	sdelay $0x3  }
0x99: {  	_ =	strace s6  }
0x9a: {  	_ =	strace $0x8FFFFFFF  }
0x9b: {  	s20 =	sld [smem:$0x3FDB];
	_ =	sdelay $0x1  }
0x9c: {  	s7 =	simm.s32 $_scs_section_size  }
0x9d: {  	s8 =	simm.s32 $_size__tile_overlayer_lowered;
	s9 =	simm.s32 $_tile_overlayer_lowered  }
0x9e: {  	s23 =	simm.s32 $0x1BFF;
	s22 =	sshll.u32 s9, $0x1;
	s6 =	sadd.s32 s7, s20  }
0x9f: {  	s10 =	simm.s32 $0x0;
	s21 =	sshll.u32 s8, $0x1;
	s8 =	sadd.s32 s22, s6  }
0xa0: {  	[timem:s10], [sflag:s23] =	dma.local [hbm:s8], s21  }
0xa1: {  	_ =	swait.ge [sflag:s23], s21  }
0xa2: {  	s7 =	ssub.s32 $0x0, s21;
	[sflag:s23] =	ssyncset.done $0x0  }
0xa3: {  	[sflag:s23] =	ssyncadd.s32 s7;
	_ =	sdelay $0x1  }
0xa4: {  	s24 =	simm.s32 $0x1B8B  }
0xa5: {  	_ =	swait.ge [sflag:s24], $0x1  }
0xa6: {  	[sflag:s24] =	ssyncset.done $0x0  }
0xa7: {  	s25 =	simm.s32 $0x1B8E;
	[sflag:s24] =	ssyncadd.s32 $0xFFFFFFFF  }
0xa8: {  	s26 =	simm.s32 $execute0_lowered;
	[smem:$0x3FD2] =	sst s25  }
0xa9: {  	s7 =	sshll.u32 s26, $0x1;
	_ =	strace $0x80000046;
	[dreg:$0x1] =	wrdreg $0xFFFFFFFF  }
0xaa: {  	s28 =	simm.s32 $_size_execute0_lowered;
	s6 =	sadd.s32 s6, s7;
	[dreg:$0x0] =	wrdreg $0x0  }
0xab: {  	s7 =	sshll.u32 s28, $0x1;
	[dreg:$0x2] =	wrdreg s6  }
0xac: {  	[dreg:$0x3] =	wrdreg s7  }
0xad: {  	[dreg:$0x4] =	wrdreg $0xC0  }
0xae: {  	_ =	task [dreg:s10], $0x5FFFF  }
0xaf: {  	[dreg:$0x1] =	wrdreg $0xFFFFFFFF  }
0xb0: {  	[dreg:$0x0] =	wrdreg $0x60  }
0xb1: {  	[dreg:$0x2] =	wrdreg s2  }
0xb2: {  	[dreg:$0x3] =	wrdreg s19  }
0xb3: {  	[dreg:$0x4] =	wrdreg s4  }
0xb4: {  	[dreg:$0x5] =	wrdreg s5  }
0xb5: {  	[dreg:$0x6] =	wrdreg $0x9  }
0xb6: {  	_ =	task.clear_ibuf [dreg:s10], $0x7FFFF;
	_ =	strace $0x90000046  }
0xb7: {  	s29 =	simm.s32 $0x9;
	_ =	strace $0x80000048  }
0xb8: {  	_ =	swait.ge [sflag:s29], $0x1  }
0xb9: {  	[sflag:s29] =	ssyncadd.s32 $0xFFFFFFFF  }
0xba: {  	_ =	strace $0x90000048  }
0xbb: {  	_ =	sfence  }
0xbc: {  	s30 =	sld [smem:$0x0];
	_ =	sdelay $0x2  }
0xbd: {  	s31 =	sshll.u32 s1, $0xD;
	s1 =	sshrl.u32 s1, $0x2  }
0xbe: {  	s3 =	sand.u32 $0x4000, s31;
	s1 =	sadd.s32 s1, s30  }
0xbf: {  	s0 =	sor.u32 s3, s0;
	s1 =	sshll.u32 s1, $0x11  }
0xc0: {  	s0 =	sor.u32 s1, s0  }
0xc1: {  	s0 =	sadd.s32 $0x8F2B, s0  }
0xc2: {  	[sflag:s0] =	ssyncadd.remote.s32 $0x1  }
0xc3: {  	_ =	sfence.sel $0xFFFF  }
0xc4: {  	[dreg:$0x0] =	wrdreg $0xFFFFFFFF;
	(pc) =	sbr.abs _section_cstart, $3  }
0xc5: {  	[dreg:$0x1] =	wrdreg $0xFFFFFFFF  }
0xc6: {  	_ =	task.clear_ibuf [dreg:s10], $0x2FFFF;
	_ =	strace $0x9FFFFFFF  }
0xc7: {  	(tm) =	ssettm $0x7FFFFFFF  }
tec
execute0_lowered:
.L_overlay_start_1:
0x0: {  	(tag) =	ssettag $0x1  }
0x1: {  	s2 =	rddreg [dreg:$0x0]  }
0x2: {  	s0 =	srdreg.scid;
	s1 =	rddreg [dreg:$0x1]  }
0x3: {  	s3 =	stileid.u32;
	s10 =	rddreg [dreg:$0x2]  }
0x4: {  	s5 =	rddreg [dreg:$0x3];
	s6 =	simm.s32 $0x0;
	s31 =	simm.s32 $0x1  }
0x5: {  	s29 =	simm.s32 $0xC200;
	s28 =	simm.s32 $0x5;
	s0 =	sand.u32 $0x1, s0  }
0x6: {  	s3 =	sshll.u32 s3, $0x7;
	[smem:$0x7FF] =	sst s6;
	s13 =	sadd.s32 $0x100, s1  }
0x7: {  	s14 =	sadd.s32 $0x200, s1;
	s15 =	sadd.s32 $0x300, s1;
	s16 =	sadd.s32 $0x400, s1  }
0x8: {  	s17 =	sadd.s32 $0x500, s1;
	s18 =	sadd.s32 $0x600, s1;
	s7 =	sshll.u32 s0, $0x6  }
0x9: {  	s19 =	sadd.s32 $0x700, s1;
	s0 =	ssub.s32 $0x2, s0;
	s4 =	sor.u32 s7, s3  }
0xa: {  	_ =	strace $0x80000047;
	s9 =	sshrl.u32 s0, $0x1;
	s3 =	sshll.u32 s4, $0x2  }
0xb: {  	s0 =	ssub.s32 s0, s9;
	s23 =	sshll.u32 s4, $0x8;
	s25 =	sor.u32 $0x800, s4  }
0xc: {  	s26 =	sor.u32 $0x1000, s4;
	s20 =	smov.u32 s4;
	s30 =	sshrl.u32 s4, $0x3  }
0xd: {  	s9 =	simm.s32 $0x8200;
	s8 =	sand.u32 $0x1E00, s3;
	[dreg:$0xe] =	wrdreg s25  }
0xe: {  	s3 =	sor.u32 s7, s3;
	s24 =	sadd.s32 s10, s23;
	[dreg:$0xf] =	wrdreg s26  }
0xf: {  	[dreg:$0xb] =	wrdreg s30;
	s0 =	smax.u32 s0, $0x1;
	s26 =	simm.s32 $0x3  }
0x10: {  	s10 =	simm.s32 $0x0;
	s8 =	sor.u32 s7, s8;
	[dreg:$0x9] =	wrdreg s24  }
0x11: {  	s3 =	sshrl.u32 s3, $0x3;
	[dreg:$0xd] =	wrdreg s0;
	s8 =	sshrl.u32 s8, $0x3  }
0x12: {  	s22 =	sor.u32 $0x20, s3;
	s3 =	sor.u32 $0x30, s3;
	s8 =	sadd.s32 s2, s8  }
0x13: {  	s7 =	sadd.s32 s2, s22;
	s2 =	sadd.s32 s2, s3;
	[dreg:$0x5] =	wrdreg s8  }
.Ltmp0:
0x14: {  	s22 =	sor.u32 $0x1800, s4;
	[dreg:$0x7] =	wrdreg s7;
	(pc) =	sbr.rel .LBB2_1-.Ltmp0, $4  }
0x15: {  	s4 =	simm.s32 $0x200;
	s21 =	sadd.s32 $0x10, s8;
	[dreg:$0x8] =	wrdreg s2  }
0x16: {  	v0 =	vlaneseq.u32;
	s3 =	simm.s32 $0x6;
	s2 =	sadd.s32 $0x800, s24;
	[dreg:$0x6] =	wrdreg s21  }
0x17: {  	v1 =	vshrl.u32 v0, $0x3;
	s8 =	simm.s32 $0x2;
	[dreg:$0xa] =	wrdreg s2;
	s2 =	sor.u32 $0x3, s30  }
0x18: {  	vm0 =	vmmov $0xffff;
	v0 =	vand.u32 $0x7, v0;
	v1 =	vmul.u32 $0x8, v1;
	s21 =	simm.s32 $0x4200;
	[dreg:$0xc] =	wrdreg s2;
	s2 =	simm.s32 $0x4  }
.LBB2_20:
0x19: {  	s0 =	simm.s32 $0x7  }
0x1a: {  	_ =	swait.ge [sflag:s0], $0x4000  }
0x1b: {  	[sflag:s0] =	ssyncset.done $0x0  }
0x1c: {  	s7 =	simm.s32 $0x8;
	[sflag:s0] =	ssyncadd.s32 $0xFFFFC000  }
0x1d: {  	_ =	swait.ge [sflag:s7], $0x4000  }
0x1e: {  	s10 =	rddreg [dreg:$0x10]  }
0x1f: {  	s30 =	rddreg [dreg:$0xd];
	s10 =	sadd.s32 $0x1, s10  }
0x20: {  	p0 =	sne.s32 s10, s30  }
.Ltmp1:
0x21: {  	_ = 	snop;
	(pc) =	sbr.rel @!p0 .LBB2_21-.Ltmp1, $3  }
0x22: {  	_ =	sdelay $0x1  }
0x23: {  	[sflag:s7] =	ssyncset.done $0x0  }
0x24: {  	[sflag:s7] =	ssyncadd.s32 $0xFFFFC000  }
.LBB2_1:
0x25: {  	[dreg:$0x10] =	wrdreg s10  }
0x26: {  	s0 =	rddreg [dreg:$0x5];
	s7 =	simm.s32 $0xB  }
0x27: {  	[tilespmem:s6], [sflag:$0xB] =	stream.linear.gather [hbm4b:s0+s6], $0x40, $0x38;
	[tilespmem:$0x18200] =	vst v63  }
0x28: {  	_ =	swait.ge [sflag:s7], $0x40  }
0x29: {  	[sflag:s7] =	ssyncset.done $0x0  }
0x2a: {  	s12 =	simm.s32 $0x80;
	s11 =	rddreg [dreg:$0x6];
	[sflag:s7] =	ssyncadd.s32 $0xFFFFFFC0  }
0x2b: {  	[tilespmem:s12], [sflag:$0xB] =	stream.linear.gather [hbm4b:s11+s6], $0x40, $0x38;
	[tilespmem:$0x18200] =	vst v63  }
0x2c: {  	_ =	swait.ge [sflag:s7], $0x40  }
0x2d: {  	[sflag:s7] =	ssyncset.done $0x0  }
0x2e: {  	s24 =	simm.s32 $0x100;
	s23 =	rddreg [dreg:$0x7];
	[sflag:s7] =	ssyncadd.s32 $0xFFFFFFC0  }
0x2f: {  	[tilespmem:s24], [sflag:$0xB] =	stream.linear.gather [hbm4b:s23+s6], $0x40, $0x38;
	[tilespmem:$0x18200] =	vst v63  }
0x30: {  	_ =	swait.ge [sflag:s7], $0x40  }
0x31: {  	[sflag:s7] =	ssyncset.done $0x0  }
0x32: {  	s30 =	simm.s32 $0x180;
	s25 =	rddreg [dreg:$0x8];
	[sflag:s7] =	ssyncadd.s32 $0xFFFFFFC0  }
0x33: {  	[tilespmem:s30], [sflag:$0xB] =	stream.linear.gather [hbm4b:s25+s6], $0x40, $0x38;
	[tilespmem:$0x18200] =	vst v63  }
0x34: {  	_ =	swait.ge [sflag:s7], $0x40  }
0x35: {  	[sflag:s7] =	ssyncset.done $0x0  }
0x36: {  	s10 =	simm.s32 $0x10200;
	[sflag:s7] =	ssyncadd.s32 $0xFFFFFFC0;
	s7 =	rddreg [dreg:$0x9]  }
0x37: {  	[tilespmem:s10], [sflag:$0x9] =	stream.linear.gather [hbm4b:s7+s6], $0x4000, $0x38;
	[tilespmem:$0x18200] =	vst v63  }
0x38: {  	s12 =	simm.s32 $0x14200;
	s11 =	rddreg [dreg:$0xa]  }
0x39: {  	[tilespmem:s12], [sflag:$0xA] =	stream.linear.gather [hbm4b:s11+s6], $0x4000, $0x38;
	[tilespmem:$0x18200] =	vst v63  }
0x3a: {  	v2 =	vld.msk [tilespmem:$0x0], $0xff;
	_ =	sdelay $0x4  }
0x3b: {  	v3 =	vshll.u32 v2, $0x4  }
0x3c: {  	v2 =	vand.u32 $0x7, v2;
	v3 =	vand.u32 $0xFFFFFF80, v3  }
0x3d: {  	v2 =	vor.u32 v2, v3  }
0x3e: {  	v2 =	vperm.xlane v2, v0;
	_ =	sdelay $0x1  }
0x3f: {  	v2 =	vadd.s32 v1, v2;
	_ =	sdelay $0x4  }
0x40: {  	[tilespmem:s4], [sflag:$0x1] =	stream.indirect_vreg.gather [hbm4b:s1+s6], $0x80, v2, vm0, $0xb8;
	[tilespmem:$0x18200] =	vst v63  }
0x41: {  	s23 =	simm.s32 $0xA00  }
0x42: {  	[tilespmem:s23], [sflag:$0x1] =	stream.indirect_vreg.gather [hbm4b:s13+s6], $0x80, v2, vm0, $0xb8;
	[tilespmem:$0x18200] =	vst v63  }
0x43: {  	s24 =	simm.s32 $0x1200  }
0x44: {  	[tilespmem:s24], [sflag:$0x1] =	stream.indirect_vreg.gather [hbm4b:s14+s6], $0x80, v2, vm0, $0xb8;
	[tilespmem:$0x18200] =	vst v63  }
0x45: {  	s25 =	simm.s32 $0x1A00  }
0x46: {  	[tilespmem:s25], [sflag:$0x1] =	stream.indirect_vreg.gather [hbm4b:s15+s6], $0x80, v2, vm0, $0xb8;
	[tilespmem:$0x18200] =	vst v63  }
0x47: {  	s30 =	simm.s32 $0x2200  }
0x48: {  	[tilespmem:s30], [sflag:$0x1] =	stream.indirect_vreg.gather [hbm4b:s16+s6], $0x80, v2, vm0, $0xb8;
	[tilespmem:$0x18200] =	vst v63  }
0x49: {  	s4 =	simm.s32 $0x2A00  }
0x4a: {  	[tilespmem:s4], [sflag:$0x1] =	stream.indirect_vreg.gather [hbm4b:s17+s6], $0x80, v2, vm0, $0xb8;
	[tilespmem:$0x18200] =	vst v63  }
0x4b: {  	s7 =	simm.s32 $0x3200  }
0x4c: {  	[tilespmem:s7], [sflag:$0x1] =	stream.indirect_vreg.gather [hbm4b:s18+s6], $0x80, v2, vm0, $0xb8;
	[tilespmem:$0x18200] =	vst v63  }
0x4d: {  	s10 =	simm.s32 $0x3A00  }
0x4e: {  	[tilespmem:s10], [sflag:$0x1] =	stream.indirect_vreg.gather [hbm4b:s19+s6], $0x80, v2, vm0, $0xb8;
	[tilespmem:$0x18200] =	vst v63  }
0x4f: {  	v2 =	vld.msk [tilespmem:$0x80], $0xff;
	_ =	sdelay $0x4  }
0x50: {  	v3 =	vshll.u32 v2, $0x4  }
0x51: {  	v2 =	vand.u32 $0x7, v2;
	v3 =	vand.u32 $0xFFFFFF80, v3  }
0x52: {  	v2 =	vor.u32 v2, v3  }
0x53: {  	v2 =	vperm.xlane v2, v0;
	_ =	sdelay $0x1  }
0x54: {  	v2 =	vadd.s32 v1, v2;
	_ =	sdelay $0x4  }
0x55: {  	[tilespmem:s21], [sflag:$0x2] =	stream.indirect_vreg.gather [hbm4b:s1+s6], $0x80, v2, vm0, $0xb8;
	[tilespmem:$0x18200] =	vst v63  }
0x56: {  	s11 =	simm.s32 $0x4A00  }
0x57: {  	[tilespmem:s11], [sflag:$0x2] =	stream.indirect_vreg.gather [hbm4b:s13+s6], $0x80, v2, vm0, $0xb8;
	[tilespmem:$0x18200] =	vst v63  }
0x58: {  	s12 =	simm.s32 $0x5200  }
0x59: {  	[tilespmem:s12], [sflag:$0x2] =	stream.indirect_vreg.gather [hbm4b:s14+s6], $0x80, v2, vm0, $0xb8;
	[tilespmem:$0x18200] =	vst v63  }
0x5a: {  	s21 =	simm.s32 $0x5A00  }
0x5b: {  	[tilespmem:s21], [sflag:$0x2] =	stream.indirect_vreg.gather [hbm4b:s15+s6], $0x80, v2, vm0, $0xb8;
	[tilespmem:$0x18200] =	vst v63  }
0x5c: {  	s23 =	simm.s32 $0x6200  }
0x5d: {  	[tilespmem:s23], [sflag:$0x2] =	stream.indirect_vreg.gather [hbm4b:s16+s6], $0x80, v2, vm0, $0xb8;
	[tilespmem:$0x18200] =	vst v63  }
0x5e: {  	s24 =	simm.s32 $0x6A00  }
0x5f: {  	[tilespmem:s24], [sflag:$0x2] =	stream.indirect_vreg.gather [hbm4b:s17+s6], $0x80, v2, vm0, $0xb8;
	[tilespmem:$0x18200] =	vst v63  }
0x60: {  	s25 =	simm.s32 $0x7200  }
0x61: {  	[tilespmem:s25], [sflag:$0x2] =	stream.indirect_vreg.gather [hbm4b:s18+s6], $0x80, v2, vm0, $0xb8;
	[tilespmem:$0x18200] =	vst v63  }
0x62: {  	s30 =	simm.s32 $0x7A00;
	s7 =	simm.s32 $0x0  }
0x63: {  	[tilespmem:s30], [sflag:$0x2] =	stream.indirect_vreg.gather [hbm4b:s19+s6], $0x80, v2, vm0, $0xb8;
	[tilespmem:$0x18200] =	vst v63  }
.LBB2_2:
0x64: {  	s0 =	simm.s32 $0x9  }
0x65: {  	_ =	swait.ge [sflag:s0], $0x4000  }
0x66: {  	[sflag:s0] =	ssyncset.done $0x0  }
0x67: {  	[sflag:s0] =	ssyncadd.s32 $0xFFFFC000  }
0x68: {  	_ =	swait.ge [sflag:s31], $0x4000  }
0x69: {  	[sflag:s31] =	ssyncset.done $0x0  }
0x6a: {  	[sflag:s31] =	ssyncadd.s32 $0xFFFFC000  }
0x6b: {  	_ =	swait.ge [sflag:s8], $0x4000  }
0x6c: {  	p0 =	seq.s32 s7, $0x0;
	[sflag:s8] =	ssyncset.done $0x0  }
0x6d: {  	s0 =	simm.s32 @!p0 $0x7;
	[sflag:s8] =	ssyncadd.s32 $0xFFFFC000  }
0x6e: {  	_ =	swait.ge @!p0 [sflag:s0], $0x4000  }
0x6f: {  	[sflag:s0] =	ssyncset.done @!p0 $0x0  }
0x70: {  	[sflag:s0] =	ssyncadd.s32 @!p0 $0xFFFFC000;
	s0 =	simm.s32 @!p0 $0x8  }
0x71: {  	_ =	swait.ge @!p0 [sflag:s0], $0x4000  }
0x72: {  	[sflag:s0] =	ssyncset.done @!p0 $0x0  }
0x73: {  	[sflag:s0] =	ssyncadd.s32 @!p0 $0xFFFFC000;
	s0 =	sshll.u32 s7, $0x4  }
0x74: {  	v2 =	vld.msk [tilespmem:s0+$0x100], $0xff;
	_ =	sdelay $0x4  }
0x75: {  	v3 =	vshll.u32 v2, $0x4  }
0x76: {  	v2 =	vand.u32 $0x7, v2;
	v3 =	vand.u32 $0xFFFFFF80, v3  }
0x77: {  	v2 =	vor.u32 v2, v3  }
0x78: {  	v2 =	vperm.xlane v2, v0;
	_ =	sdelay $0x1  }
0x79: {  	v2 =	vadd.s32 v1, v2;
	_ =	sdelay $0x3  }
0x7a: {  	s11 =	simm.s32 $0x0  }
0x7b: {  	[tilespmem:s9], [sflag:$0x3] =	stream.indirect_vreg.gather [hbm4b:s1+s11], $0x80, v2, vm0, $0xb8;
	[tilespmem:$0x18200] =	vst v63  }
0x7c: {  	s4 =	simm.s32 $0x8A00  }
0x7d: {  	[tilespmem:s4], [sflag:$0x3] =	stream.indirect_vreg.gather [hbm4b:s13+s11], $0x80, v2, vm0, $0xb8;
	[tilespmem:$0x18200] =	vst v63  }
0x7e: {  	s12 =	simm.s32 $0x9200  }
0x7f: {  	[tilespmem:s12], [sflag:$0x3] =	stream.indirect_vreg.gather [hbm4b:s14+s11], $0x80, v2, vm0, $0xb8;
	[tilespmem:$0x18200] =	vst v63  }
0x80: {  	s21 =	simm.s32 $0x9A00  }
0x81: {  	[tilespmem:s21], [sflag:$0x3] =	stream.indirect_vreg.gather [hbm4b:s15+s11], $0x80, v2, vm0, $0xb8;
	[tilespmem:$0x18200] =	vst v63  }
0x82: {  	s23 =	simm.s32 $0xA200  }
0x83: {  	[tilespmem:s23], [sflag:$0x3] =	stream.indirect_vreg.gather [hbm4b:s16+s11], $0x80, v2, vm0, $0xb8;
	[tilespmem:$0x18200] =	vst v63  }
0x84: {  	s24 =	simm.s32 $0xAA00  }
0x85: {  	[tilespmem:s24], [sflag:$0x3] =	stream.indirect_vreg.gather [hbm4b:s17+s11], $0x80, v2, vm0, $0xb8;
	[tilespmem:$0x18200] =	vst v63  }
0x86: {  	s25 =	simm.s32 $0xB200  }
0x87: {  	[tilespmem:s25], [sflag:$0x3] =	stream.indirect_vreg.gather [hbm4b:s18+s11], $0x80, v2, vm0, $0xb8;
	[tilespmem:$0x18200] =	vst v63  }
0x88: {  	s30 =	simm.s32 $0xBA00  }
0x89: {  	[tilespmem:s30], [sflag:$0x3] =	stream.indirect_vreg.gather [hbm4b:s19+s11], $0x80, v2, vm0, $0xb8;
	[tilespmem:$0x18200] =	vst v63  }
0x8a: {  	v2 =	vld.msk [tilespmem:s0+$0x180], $0xff;
	_ =	sdelay $0x4  }
0x8b: {  	v3 =	vshll.u32 v2, $0x4  }
0x8c: {  	v2 =	vand.u32 $0x7, v2;
	v3 =	vand.u32 $0xFFFFFF80, v3  }
0x8d: {  	v2 =	vor.u32 v2, v3  }
0x8e: {  	v2 =	vperm.xlane v2, v0;
	_ =	sdelay $0x1  }
0x8f: {  	v2 =	vadd.s32 v1, v2;
	_ =	sdelay $0x4  }
0x90: {  	[tilespmem:s29], [sflag:$0x4] =	stream.indirect_vreg.gather [hbm4b:s1+s11], $0x80, v2, vm0, $0xb8;
	[tilespmem:$0x18200] =	vst v63  }
0x91: {  	s10 =	simm.s32 $0xCA00  }
0x92: {  	[tilespmem:s10], [sflag:$0x4] =	stream.indirect_vreg.gather [hbm4b:s13+s11], $0x80, v2, vm0, $0xb8;
	[tilespmem:$0x18200] =	vst v63  }
0x93: {  	s12 =	simm.s32 $0xD200  }
0x94: {  	[tilespmem:s12], [sflag:$0x4] =	stream.indirect_vreg.gather [hbm4b:s14+s11], $0x80, v2, vm0, $0xb8;
	[tilespmem:$0x18200] =	vst v63  }
0x95: {  	s21 =	simm.s32 $0xDA00  }
0x96: {  	[tilespmem:s21], [sflag:$0x4] =	stream.indirect_vreg.gather [hbm4b:s15+s11], $0x80, v2, vm0, $0xb8;
	[tilespmem:$0x18200] =	vst v63  }
0x97: {  	s23 =	simm.s32 $0xE200  }
0x98: {  	[tilespmem:s23], [sflag:$0x4] =	stream.indirect_vreg.gather [hbm4b:s16+s11], $0x80, v2, vm0, $0xb8;
	[tilespmem:$0x18200] =	vst v63  }
0x99: {  	s24 =	simm.s32 $0xEA00  }
0x9a: {  	[tilespmem:s24], [sflag:$0x4] =	stream.indirect_vreg.gather [hbm4b:s17+s11], $0x80, v2, vm0, $0xb8;
	[tilespmem:$0x18200] =	vst v63  }
0x9b: {  	s25 =	simm.s32 $0xF200  }
0x9c: {  	[tilespmem:s25], [sflag:$0x4] =	stream.indirect_vreg.gather [hbm4b:s18+s11], $0x80, v2, vm0, $0xb8;
	[tilespmem:$0x18200] =	vst v63  }
0x9d: {  	s30 =	simm.s32 $0xFA00;
	s12 =	simm.s32 $0x0;
	s25 =	sshll.u32 s7, $0x1  }
0x9e: {  	[tilespmem:s30], [sflag:$0x4] =	stream.indirect_vreg.gather [hbm4b:s19+s11], $0x80, v2, vm0, $0xb8;
	[tilespmem:$0x18200] =	vst v63  }
.LBB2_3:
0x9f: {  	s30 =	sshra.s32 s11, $0x2  }
0xa0: {  	v2 =	vld [tilespmem:s30+$0x10270]  }
0xa1: {  	v3 =	vld [tilespmem:s30+$0x10200]  }
0xa2: {  	v4 =	vld [tilespmem:s30+$0x10210]  }
0xa3: {  	v5 =	vld [tilespmem:s30+$0x10220]  }
0xa4: {  	v6 =	vld [tilespmem:s30+$0x10230]  }
0xa5: {  	v7 =	vld [tilespmem:s30+$0x10240]  }
0xa6: {  	v8 =	vld [tilespmem:s30+$0x10250]  }
0xa7: {  	v9 =	vld [tilespmem:s30+$0x10260]  }
0xa8: {  	[tilespmem:s30+$0x4270] =	vst.add.f32.msk $0xffff, v2  }
0xa9: {  	[tilespmem:s30+$0x200] =	vst.add.f32.msk $0xffff, v3  }
0xaa: {  	[tilespmem:s30+$0x4200] =	vst.add.f32.msk $0xffff, v3  }
0xab: {  	[tilespmem:s30+$0x210] =	vst.add.f32.msk $0xffff, v4  }
0xac: {  	[tilespmem:s30+$0x4210] =	vst.add.f32.msk $0xffff, v4  }
0xad: {  	[tilespmem:s30+$0x220] =	vst.add.f32.msk $0xffff, v5  }
0xae: {  	[tilespmem:s30+$0x4220] =	vst.add.f32.msk $0xffff, v5  }
0xaf: {  	[tilespmem:s30+$0x230] =	vst.add.f32.msk $0xffff, v6  }
0xb0: {  	[tilespmem:s30+$0x4230] =	vst.add.f32.msk $0xffff, v6  }
0xb1: {  	[tilespmem:s30+$0x240] =	vst.add.f32.msk $0xffff, v7  }
0xb2: {  	[tilespmem:s30+$0x4240] =	vst.add.f32.msk $0xffff, v7  }
0xb3: {  	[tilespmem:s30+$0x250] =	vst.add.f32.msk $0xffff, v8  }
0xb4: {  	[tilespmem:s30+$0x4250] =	vst.add.f32.msk $0xffff, v8  }
0xb5: {  	[tilespmem:s30+$0x260] =	vst.add.f32.msk $0xffff, v9  }
0xb6: {  	s24 =	simm.s32 $0x0;
	s23 =	sadd.s32 $0x1000, s11;
	[tilespmem:s30+$0x4260] =	vst.add.f32.msk $0xffff, v9  }
.LBB2_4:
0xb7: {  	s24 =	sadd.s32 $0x80, s24;
	[tilespmem:s30+$0x270] =	vst.add.f32.msk $0xffff, v2;
	s30 =	sshra.s32 s23, $0x2  }
0xb8: {  	v2 =	vld [tilespmem:s30+$0x10270];
	p0 =	slt.u32 s24, $0x780  }
0xb9: {  	v3 =	vld [tilespmem:s30+$0x10200]  }
0xba: {  	v4 =	vld [tilespmem:s30+$0x10210]  }
0xbb: {  	v5 =	vld [tilespmem:s30+$0x10220]  }
0xbc: {  	v6 =	vld [tilespmem:s30+$0x10230]  }
0xbd: {  	[tilespmem:s30+$0x4270] =	vst.add.f32.msk $0xffff, v2  }
0xbe: {  	v7 =	vld [tilespmem:s30+$0x10240]  }
0xbf: {  	v8 =	vld [tilespmem:s30+$0x10250]  }
0xc0: {  	v9 =	vld [tilespmem:s30+$0x10260]  }
0xc1: {  	[tilespmem:s30+$0x200] =	vst.add.f32.msk $0xffff, v3  }
0xc2: {  	[tilespmem:s30+$0x4200] =	vst.add.f32.msk $0xffff, v3  }
0xc3: {  	[tilespmem:s30+$0x210] =	vst.add.f32.msk $0xffff, v4  }
0xc4: {  	[tilespmem:s30+$0x4210] =	vst.add.f32.msk $0xffff, v4  }
0xc5: {  	[tilespmem:s30+$0x220] =	vst.add.f32.msk $0xffff, v5  }
0xc6: {  	[tilespmem:s30+$0x4220] =	vst.add.f32.msk $0xffff, v5  }
0xc7: {  	[tilespmem:s30+$0x230] =	vst.add.f32.msk $0xffff, v6  }
0xc8: {  	[tilespmem:s30+$0x4230] =	vst.add.f32.msk $0xffff, v6  }
0xc9: {  	[tilespmem:s30+$0x240] =	vst.add.f32.msk $0xffff, v7  }
.Ltmp2:
0xca: {  	[tilespmem:s30+$0x4240] =	vst.add.f32.msk $0xffff, v7;
	(pc) =	sbr.rel @p0 .LBB2_4-.Ltmp2, $4  }
0xcb: {  	[tilespmem:s30+$0x250] =	vst.add.f32.msk $0xffff, v8  }
0xcc: {  	[tilespmem:s30+$0x4250] =	vst.add.f32.msk $0xffff, v8  }
0xcd: {  	[tilespmem:s30+$0x260] =	vst.add.f32.msk $0xffff, v9  }
0xce: {  	s23 =	sadd.s32 $0x1000, s23;
	[tilespmem:s30+$0x4260] =	vst.add.f32.msk $0xffff, v9  }
0xcf: {  	s12 =	sadd.s32 $0x1, s12  }
0xd0: {  	p0 =	sne.s32 s12, $0x8  }
.Ltmp3:
0xd1: {  	_ = 	snop;
	(pc) =	sbr.rel @p0 .LBB2_3-.Ltmp3, $2  }
0xd2: {  	_ =	sdelay $0x2  }
0xd3: {  	[tilespmem:s30+$0x270] =	vst.add.f32.msk $0xffff, v2;
	s11 =	sadd.s32 $0x200, s11  }
0xd4: {  	s10 =	sadd.s32 s20, s0  }
0xd5: {  	s12 =	simm.s32 $0x0;
	s4 =	rddreg [dreg:$0xe];
	s10 =	sshll.u32 s10, $0x8  }
0xd6: {  	s23 =	simm.s32 $0x200;
	s21 =	sadd.s32 s4, s0;
	s10 =	sadd.s32 s5, s10  }
0xd7: {  	[hbm4b:s10+s12] =	stream.linear.scatter [tilespmem:s23], [sflag:$0x5], $0x4000, $0x38;
	[tilespmem:$0x18200] =	vst v63  }
0xd8: {  	s10 =	sshll.u32 s21, $0x8  }
0xd9: {  	s24 =	simm.s32 $0x4200;
	s10 =	sadd.s32 s5, s10  }
0xda: {  	[hbm4b:s10+s12] =	stream.linear.scatter [tilespmem:s24], [sflag:$0x6], $0x4000, $0x38;
	[tilespmem:$0x18200] =	vst v63  }
0xdb: {  	_ =	swait.ge [sflag:s26], $0x4000  }
0xdc: {  	[sflag:s26] =	ssyncset.done $0x0  }
0xdd: {  	[sflag:s26] =	ssyncadd.s32 $0xFFFFC000  }
0xde: {  	_ =	swait.ge [sflag:s2], $0x4000  }
0xdf: {  	[sflag:s2] =	ssyncset.done $0x0  }
0xe0: {  	[sflag:s2] =	ssyncadd.s32 $0xFFFFC000  }
0xe1: {  	_ =	swait.ge [sflag:s28], $0x4000  }
0xe2: {  	[sflag:s28] =	ssyncset.done $0x0  }
0xe3: {  	[sflag:s28] =	ssyncadd.s32 $0xFFFFC000  }
0xe4: {  	_ =	swait.ge [sflag:s3], $0x4000  }
0xe5: {  	[sflag:s3] =	ssyncset.done $0x0  }
0xe6: {  	s11 =	sor.u32 $0x8, s0;
	[sflag:s3] =	ssyncadd.s32 $0xFFFFC000  }
0xe7: {  	v2 =	vld.msk [tilespmem:s11+$0x0], $0xff;
	_ =	sdelay $0x4  }
0xe8: {  	v3 =	vshll.u32 v2, $0x4  }
0xe9: {  	v2 =	vand.u32 $0x7, v2;
	v3 =	vand.u32 $0xFFFFFF80, v3  }
0xea: {  	v2 =	vor.u32 v2, v3  }
0xeb: {  	v2 =	vperm.xlane v2, v0;
	_ =	sdelay $0x1  }
0xec: {  	v2 =	vadd.s32 v1, v2;
	_ =	sdelay $0x4  }
0xed: {  	[tilespmem:s23], [sflag:$0x1] =	stream.indirect_vreg.gather [hbm4b:s1+s12], $0x80, v2, vm0, $0xb8;
	[tilespmem:$0x18200] =	vst v63  }
0xee: {  	s23 =	simm.s32 $0xA00  }
0xef: {  	[tilespmem:s23], [sflag:$0x1] =	stream.indirect_vreg.gather [hbm4b:s13+s12], $0x80, v2, vm0, $0xb8;
	[tilespmem:$0x18200] =	vst v63  }
0xf0: {  	s21 =	simm.s32 $0x1200  }
0xf1: {  	[tilespmem:s21], [sflag:$0x1] =	stream.indirect_vreg.gather [hbm4b:s14+s12], $0x80, v2, vm0, $0xb8;
	[tilespmem:$0x18200] =	vst v63  }
0xf2: {  	s23 =	simm.s32 $0x1A00  }
0xf3: {  	[tilespmem:s23], [sflag:$0x1] =	stream.indirect_vreg.gather [hbm4b:s15+s12], $0x80, v2, vm0, $0xb8;
	[tilespmem:$0x18200] =	vst v63  }
0xf4: {  	s21 =	simm.s32 $0x2200  }
0xf5: {  	[tilespmem:s21], [sflag:$0x1] =	stream.indirect_vreg.gather [hbm4b:s16+s12], $0x80, v2, vm0, $0xb8;
	[tilespmem:$0x18200] =	vst v63  }
0xf6: {  	s23 =	simm.s32 $0x2A00  }
0xf7: {  	[tilespmem:s23], [sflag:$0x1] =	stream.indirect_vreg.gather [hbm4b:s17+s12], $0x80, v2, vm0, $0xb8;
	[tilespmem:$0x18200] =	vst v63  }
0xf8: {  	s21 =	simm.s32 $0x3200  }
0xf9: {  	[tilespmem:s21], [sflag:$0x1] =	stream.indirect_vreg.gather [hbm4b:s18+s12], $0x80, v2, vm0, $0xb8;
	[tilespmem:$0x18200] =	vst v63  }
0xfa: {  	s23 =	simm.s32 $0x3A00  }
0xfb: {  	[tilespmem:s23], [sflag:$0x1] =	stream.indirect_vreg.gather [hbm4b:s19+s12], $0x80, v2, vm0, $0xb8;
	[tilespmem:$0x18200] =	vst v63  }
0xfc: {  	v2 =	vld.msk [tilespmem:s0+$0x88], $0xff;
	_ =	sdelay $0x4  }
0xfd: {  	v3 =	vshll.u32 v2, $0x4  }
0xfe: {  	v2 =	vand.u32 $0x7, v2;
	v3 =	vand.u32 $0xFFFFFF80, v3  }
0xff: {  	v2 =	vor.u32 v2, v3  }
0x100: {  	v2 =	vperm.xlane v2, v0;
	_ =	sdelay $0x1  }
0x101: {  	v2 =	vadd.s32 v1, v2;
	_ =	sdelay $0x4  }
0x102: {  	[tilespmem:s24], [sflag:$0x2] =	stream.indirect_vreg.gather [hbm4b:s1+s12], $0x80, v2, vm0, $0xb8;
	[tilespmem:$0x18200] =	vst v63  }
0x103: {  	s24 =	simm.s32 $0x4A00  }
0x104: {  	[tilespmem:s24], [sflag:$0x2] =	stream.indirect_vreg.gather [hbm4b:s13+s12], $0x80, v2, vm0, $0xb8;
	[tilespmem:$0x18200] =	vst v63  }
0x105: {  	s23 =	simm.s32 $0x5200  }
0x106: {  	[tilespmem:s23], [sflag:$0x2] =	stream.indirect_vreg.gather [hbm4b:s14+s12], $0x80, v2, vm0, $0xb8;
	[tilespmem:$0x18200] =	vst v63  }
0x107: {  	s24 =	simm.s32 $0x5A00  }
0x108: {  	[tilespmem:s24], [sflag:$0x2] =	stream.indirect_vreg.gather [hbm4b:s15+s12], $0x80, v2, vm0, $0xb8;
	[tilespmem:$0x18200] =	vst v63  }
0x109: {  	s23 =	simm.s32 $0x6200  }
0x10a: {  	[tilespmem:s23], [sflag:$0x2] =	stream.indirect_vreg.gather [hbm4b:s16+s12], $0x80, v2, vm0, $0xb8;
	[tilespmem:$0x18200] =	vst v63  }
0x10b: {  	s24 =	simm.s32 $0x6A00  }
0x10c: {  	[tilespmem:s24], [sflag:$0x2] =	stream.indirect_vreg.gather [hbm4b:s17+s12], $0x80, v2, vm0, $0xb8;
	[tilespmem:$0x18200] =	vst v63  }
0x10d: {  	s30 =	simm.s32 $0x0;
	s23 =	simm.s32 $0x7200  }
0x10e: {  	[tilespmem:s23], [sflag:$0x2] =	stream.indirect_vreg.gather [hbm4b:s18+s12], $0x80, v2, vm0, $0xb8;
	[tilespmem:$0x18200] =	vst v63  }
0x10f: {  	s4 =	simm.s32 $0x200;
	s21 =	simm.s32 $0x4200;
	s24 =	simm.s32 $0x7A00  }
0x110: {  	[tilespmem:s24], [sflag:$0x2] =	stream.indirect_vreg.gather [hbm4b:s19+s12], $0x80, v2, vm0, $0xb8;
	[tilespmem:$0x18200] =	vst v63  }
.LBB2_7:
0x111: {  	s24 =	sshra.s32 s12, $0x2  }
0x112: {  	v2 =	vld [tilespmem:s24+$0x10270]  }
0x113: {  	v3 =	vld [tilespmem:s24+$0x10200]  }
0x114: {  	v4 =	vld [tilespmem:s24+$0x10210]  }
0x115: {  	v5 =	vld [tilespmem:s24+$0x10220]  }
0x116: {  	v6 =	vld [tilespmem:s24+$0x10230]  }
0x117: {  	v7 =	vld [tilespmem:s24+$0x10240]  }
0x118: {  	v8 =	vld [tilespmem:s24+$0x10250]  }
0x119: {  	v9 =	vld [tilespmem:s24+$0x10260]  }
0x11a: {  	[tilespmem:s24+$0xC270] =	vst.add.f32.msk $0xffff, v2  }
0x11b: {  	[tilespmem:s24+$0x8200] =	vst.add.f32.msk $0xffff, v3  }
0x11c: {  	[tilespmem:s24+$0xC200] =	vst.add.f32.msk $0xffff, v3  }
0x11d: {  	[tilespmem:s24+$0x8210] =	vst.add.f32.msk $0xffff, v4  }
0x11e: {  	[tilespmem:s24+$0xC210] =	vst.add.f32.msk $0xffff, v4  }
0x11f: {  	[tilespmem:s24+$0x8220] =	vst.add.f32.msk $0xffff, v5  }
0x120: {  	[tilespmem:s24+$0xC220] =	vst.add.f32.msk $0xffff, v5  }
0x121: {  	[tilespmem:s24+$0x8230] =	vst.add.f32.msk $0xffff, v6  }
0x122: {  	[tilespmem:s24+$0xC230] =	vst.add.f32.msk $0xffff, v6  }
0x123: {  	[tilespmem:s24+$0x8240] =	vst.add.f32.msk $0xffff, v7  }
0x124: {  	[tilespmem:s24+$0xC240] =	vst.add.f32.msk $0xffff, v7  }
0x125: {  	[tilespmem:s24+$0x8250] =	vst.add.f32.msk $0xffff, v8  }
0x126: {  	[tilespmem:s24+$0xC250] =	vst.add.f32.msk $0xffff, v8  }
0x127: {  	[tilespmem:s24+$0x8260] =	vst.add.f32.msk $0xffff, v9  }
0x128: {  	s23 =	simm.s32 $0x0;
	s10 =	sadd.s32 $0x1000, s12;
	[tilespmem:s24+$0xC260] =	vst.add.f32.msk $0xffff, v9  }
.LBB2_8:
0x129: {  	s23 =	sadd.s32 $0x80, s23;
	[tilespmem:s24+$0x8270] =	vst.add.f32.msk $0xffff, v2;
	s24 =	sshra.s32 s10, $0x2  }
0x12a: {  	v2 =	vld [tilespmem:s24+$0x10270];
	p0 =	slt.u32 s23, $0x780  }
0x12b: {  	v3 =	vld [tilespmem:s24+$0x10200]  }
0x12c: {  	v4 =	vld [tilespmem:s24+$0x10210]  }
0x12d: {  	v5 =	vld [tilespmem:s24+$0x10220]  }
0x12e: {  	v6 =	vld [tilespmem:s24+$0x10230]  }
0x12f: {  	[tilespmem:s24+$0xC270] =	vst.add.f32.msk $0xffff, v2  }
0x130: {  	v7 =	vld [tilespmem:s24+$0x10240]  }
0x131: {  	v8 =	vld [tilespmem:s24+$0x10250]  }
0x132: {  	v9 =	vld [tilespmem:s24+$0x10260]  }
0x133: {  	[tilespmem:s24+$0x8200] =	vst.add.f32.msk $0xffff, v3  }
0x134: {  	[tilespmem:s24+$0xC200] =	vst.add.f32.msk $0xffff, v3  }
0x135: {  	[tilespmem:s24+$0x8210] =	vst.add.f32.msk $0xffff, v4  }
0x136: {  	[tilespmem:s24+$0xC210] =	vst.add.f32.msk $0xffff, v4  }
0x137: {  	[tilespmem:s24+$0x8220] =	vst.add.f32.msk $0xffff, v5  }
0x138: {  	[tilespmem:s24+$0xC220] =	vst.add.f32.msk $0xffff, v5  }
0x139: {  	[tilespmem:s24+$0x8230] =	vst.add.f32.msk $0xffff, v6  }
0x13a: {  	[tilespmem:s24+$0xC230] =	vst.add.f32.msk $0xffff, v6  }
0x13b: {  	[tilespmem:s24+$0x8240] =	vst.add.f32.msk $0xffff, v7  }
.Ltmp4:
0x13c: {  	[tilespmem:s24+$0xC240] =	vst.add.f32.msk $0xffff, v7;
	(pc) =	sbr.rel @p0 .LBB2_8-.Ltmp4, $4  }
0x13d: {  	[tilespmem:s24+$0x8250] =	vst.add.f32.msk $0xffff, v8  }
0x13e: {  	[tilespmem:s24+$0xC250] =	vst.add.f32.msk $0xffff, v8  }
0x13f: {  	[tilespmem:s24+$0x8260] =	vst.add.f32.msk $0xffff, v9  }
0x140: {  	s10 =	sadd.s32 $0x1000, s10;
	[tilespmem:s24+$0xC260] =	vst.add.f32.msk $0xffff, v9  }
0x141: {  	s30 =	sadd.s32 $0x1, s30  }
0x142: {  	p0 =	sne.s32 s30, $0x8  }
.Ltmp5:
0x143: {  	_ = 	snop;
	(pc) =	sbr.rel @p0 .LBB2_7-.Ltmp5, $2  }
0x144: {  	_ =	sdelay $0x2  }
0x145: {  	[tilespmem:s24+$0x8270] =	vst.add.f32.msk $0xffff, v2;
	s12 =	sadd.s32 $0x200, s12  }
0x146: {  	s10 =	rddreg [dreg:$0xf]  }
0x147: {  	s10 =	sadd.s32 s10, s0  }
0x148: {  	s12 =	sadd.s32 s22, s0;
	s10 =	sshll.u32 s10, $0x8  }
0x149: {  	s0 =	sshll.u32 s12, $0x8;
	s10 =	sadd.s32 s5, s10  }
0x14a: {  	[hbm4b:s10+s6] =	stream.linear.scatter [tilespmem:s9], [sflag:$0x7], $0x4000, $0x38;
	[tilespmem:$0x18200] =	vst v63  }
0x14b: {  	s0 =	sadd.s32 s5, s0  }
0x14c: {  	[hbm4b:s0+s6] =	stream.linear.scatter [tilespmem:s29], [sflag:$0x8], $0x4000, $0x38;
	[tilespmem:$0x18200] =	vst v63  }
0x14d: {  	p0 =	seq.s32 s7, $0x3;
	s10 =	rddreg [dreg:$0xb];
	s0 =	sadd.s32 $0x2, s25  }
0x14e: {  	s10 =	sadd.s32 @!p0 s10, s0  }
0x14f: {  	s10 =	sshll.u32 @!p0 s10, $0xB  }
0x150: {  	s12 =	rddreg [dreg:$0x2];
	s10 =	sand.u32 @!p0 $0x1FFFF000, s10  }
0x151: {  	s23 =	simm.s32 @!p0 $0x10200;
	s10 =	sadd.s32 @!p0 s12, s10;
	s12 =	simm.s32 @!p0 $0x0  }
0x152: {  	[tilespmem:s23], [sflag:$0x9] =	stream.linear.gather @!p0 [hbm4b:s10+s12], $0x4000, $0x38;
	[tilespmem:$0x18200] =	vst v63  }
0x153: {  	s23 =	simm.s32 $0xA  }
0x154: {  	_ =	swait.ge [sflag:s23], $0x4000  }
0x155: {  	[sflag:s23] =	ssyncset.done $0x0  }
0x156: {  	[sflag:s23] =	ssyncadd.s32 $0xFFFFC000  }
0x157: {  	_ =	swait.ge [sflag:s31], $0x4000  }
0x158: {  	[sflag:s31] =	ssyncset.done $0x0  }
0x159: {  	[sflag:s31] =	ssyncadd.s32 $0xFFFFC000  }
0x15a: {  	_ =	swait.ge [sflag:s8], $0x4000  }
0x15b: {  	[sflag:s8] =	ssyncset.done $0x0  }
0x15c: {  	s24 =	simm.s32 $0x7;
	[sflag:s8] =	ssyncadd.s32 $0xFFFFC000  }
0x15d: {  	_ =	swait.ge [sflag:s24], $0x4000  }
0x15e: {  	[sflag:s24] =	ssyncset.done $0x0  }
0x15f: {  	s12 =	simm.s32 $0x8;
	[sflag:s24] =	ssyncadd.s32 $0xFFFFC000  }
0x160: {  	_ =	swait.ge [sflag:s12], $0x4000  }
0x161: {  	[sflag:s12] =	ssyncset.done $0x0  }
0x162: {  	[sflag:s12] =	ssyncadd.s32 $0xFFFFC000  }
0x163: {  	v2 =	vld.msk [tilespmem:s11+$0x100], $0xff;
	_ =	sdelay $0x4  }
0x164: {  	v3 =	vshll.u32 v2, $0x4  }
0x165: {  	v2 =	vand.u32 $0x7, v2;
	v3 =	vand.u32 $0xFFFFFF80, v3  }
0x166: {  	v2 =	vor.u32 v2, v3  }
0x167: {  	v2 =	vperm.xlane v2, v0;
	_ =	sdelay $0x1  }
0x168: {  	v2 =	vadd.s32 v1, v2;
	_ =	sdelay $0x3  }
0x169: {  	s12 =	simm.s32 $0x0  }
0x16a: {  	[tilespmem:s9], [sflag:$0x3] =	stream.indirect_vreg.gather [hbm4b:s1+s12], $0x80, v2, vm0, $0xb8;
	[tilespmem:$0x18200] =	vst v63  }
0x16b: {  	s23 =	simm.s32 $0x8A00  }
0x16c: {  	[tilespmem:s23], [sflag:$0x3] =	stream.indirect_vreg.gather [hbm4b:s13+s12], $0x80, v2, vm0, $0xb8;
	[tilespmem:$0x18200] =	vst v63  }
0x16d: {  	s24 =	simm.s32 $0x9200  }
0x16e: {  	[tilespmem:s24], [sflag:$0x3] =	stream.indirect_vreg.gather [hbm4b:s14+s12], $0x80, v2, vm0, $0xb8;
	[tilespmem:$0x18200] =	vst v63  }
0x16f: {  	s23 =	simm.s32 $0x9A00  }
0x170: {  	[tilespmem:s23], [sflag:$0x3] =	stream.indirect_vreg.gather [hbm4b:s15+s12], $0x80, v2, vm0, $0xb8;
	[tilespmem:$0x18200] =	vst v63  }
0x171: {  	s24 =	simm.s32 $0xA200  }
0x172: {  	[tilespmem:s24], [sflag:$0x3] =	stream.indirect_vreg.gather [hbm4b:s16+s12], $0x80, v2, vm0, $0xb8;
	[tilespmem:$0x18200] =	vst v63  }
0x173: {  	s23 =	simm.s32 $0xAA00  }
0x174: {  	[tilespmem:s23], [sflag:$0x3] =	stream.indirect_vreg.gather [hbm4b:s17+s12], $0x80, v2, vm0, $0xb8;
	[tilespmem:$0x18200] =	vst v63  }
0x175: {  	s24 =	simm.s32 $0xB200  }
0x176: {  	[tilespmem:s24], [sflag:$0x3] =	stream.indirect_vreg.gather [hbm4b:s18+s12], $0x80, v2, vm0, $0xb8;
	[tilespmem:$0x18200] =	vst v63  }
0x177: {  	s23 =	simm.s32 $0xBA00  }
0x178: {  	[tilespmem:s23], [sflag:$0x3] =	stream.indirect_vreg.gather [hbm4b:s19+s12], $0x80, v2, vm0, $0xb8;
	[tilespmem:$0x18200] =	vst v63  }
0x179: {  	v2 =	vld.msk [tilespmem:s11+$0x180], $0xff;
	_ =	sdelay $0x4  }
0x17a: {  	v3 =	vshll.u32 v2, $0x4  }
0x17b: {  	v2 =	vand.u32 $0x7, v2;
	v3 =	vand.u32 $0xFFFFFF80, v3  }
0x17c: {  	v2 =	vor.u32 v2, v3  }
0x17d: {  	v2 =	vperm.xlane v2, v0;
	_ =	sdelay $0x1  }
0x17e: {  	v2 =	vadd.s32 v1, v2;
	_ =	sdelay $0x4  }
0x17f: {  	[tilespmem:s29], [sflag:$0x4] =	stream.indirect_vreg.gather [hbm4b:s1+s12], $0x80, v2, vm0, $0xb8;
	[tilespmem:$0x18200] =	vst v63  }
0x180: {  	s24 =	simm.s32 $0xCA00  }
0x181: {  	[tilespmem:s24], [sflag:$0x4] =	stream.indirect_vreg.gather [hbm4b:s13+s12], $0x80, v2, vm0, $0xb8;
	[tilespmem:$0x18200] =	vst v63  }
0x182: {  	s23 =	simm.s32 $0xD200  }
0x183: {  	[tilespmem:s23], [sflag:$0x4] =	stream.indirect_vreg.gather [hbm4b:s14+s12], $0x80, v2, vm0, $0xb8;
	[tilespmem:$0x18200] =	vst v63  }
0x184: {  	s24 =	simm.s32 $0xDA00  }
0x185: {  	[tilespmem:s24], [sflag:$0x4] =	stream.indirect_vreg.gather [hbm4b:s15+s12], $0x80, v2, vm0, $0xb8;
	[tilespmem:$0x18200] =	vst v63  }
0x186: {  	s23 =	simm.s32 $0xE200  }
0x187: {  	[tilespmem:s23], [sflag:$0x4] =	stream.indirect_vreg.gather [hbm4b:s16+s12], $0x80, v2, vm0, $0xb8;
	[tilespmem:$0x18200] =	vst v63  }
0x188: {  	s24 =	simm.s32 $0xEA00  }
0x189: {  	[tilespmem:s24], [sflag:$0x4] =	stream.indirect_vreg.gather [hbm4b:s17+s12], $0x80, v2, vm0, $0xb8;
	[tilespmem:$0x18200] =	vst v63  }
0x18a: {  	s23 =	simm.s32 $0xF200  }
0x18b: {  	[tilespmem:s23], [sflag:$0x4] =	stream.indirect_vreg.gather [hbm4b:s18+s12], $0x80, v2, vm0, $0xb8;
	[tilespmem:$0x18200] =	vst v63  }
0x18c: {  	s30 =	simm.s32 $0x0;
	s24 =	simm.s32 $0xFA00  }
0x18d: {  	[tilespmem:s24], [sflag:$0x4] =	stream.indirect_vreg.gather [hbm4b:s19+s12], $0x80, v2, vm0, $0xb8;
	[tilespmem:$0x18200] =	vst v63  }
.LBB2_11:
0x18e: {  	s24 =	sshra.s32 s12, $0x2  }
0x18f: {  	v2 =	vld [tilespmem:s24+$0x14270]  }
0x190: {  	v3 =	vld [tilespmem:s24+$0x14200]  }
0x191: {  	v4 =	vld [tilespmem:s24+$0x14210]  }
0x192: {  	v5 =	vld [tilespmem:s24+$0x14220]  }
0x193: {  	v6 =	vld [tilespmem:s24+$0x14230]  }
0x194: {  	v7 =	vld [tilespmem:s24+$0x14240]  }
0x195: {  	v8 =	vld [tilespmem:s24+$0x14250]  }
0x196: {  	v9 =	vld [tilespmem:s24+$0x14260]  }
0x197: {  	[tilespmem:s24+$0x4270] =	vst.add.f32.msk $0xffff, v2  }
0x198: {  	[tilespmem:s24+$0x200] =	vst.add.f32.msk $0xffff, v3  }
0x199: {  	[tilespmem:s24+$0x4200] =	vst.add.f32.msk $0xffff, v3  }
0x19a: {  	[tilespmem:s24+$0x210] =	vst.add.f32.msk $0xffff, v4  }
0x19b: {  	[tilespmem:s24+$0x4210] =	vst.add.f32.msk $0xffff, v4  }
0x19c: {  	[tilespmem:s24+$0x220] =	vst.add.f32.msk $0xffff, v5  }
0x19d: {  	[tilespmem:s24+$0x4220] =	vst.add.f32.msk $0xffff, v5  }
0x19e: {  	[tilespmem:s24+$0x230] =	vst.add.f32.msk $0xffff, v6  }
0x19f: {  	[tilespmem:s24+$0x4230] =	vst.add.f32.msk $0xffff, v6  }
0x1a0: {  	[tilespmem:s24+$0x240] =	vst.add.f32.msk $0xffff, v7  }
0x1a1: {  	[tilespmem:s24+$0x4240] =	vst.add.f32.msk $0xffff, v7  }
0x1a2: {  	[tilespmem:s24+$0x250] =	vst.add.f32.msk $0xffff, v8  }
0x1a3: {  	[tilespmem:s24+$0x4250] =	vst.add.f32.msk $0xffff, v8  }
0x1a4: {  	[tilespmem:s24+$0x260] =	vst.add.f32.msk $0xffff, v9  }
0x1a5: {  	s23 =	simm.s32 $0x0;
	s10 =	sadd.s32 $0x1000, s12;
	[tilespmem:s24+$0x4260] =	vst.add.f32.msk $0xffff, v9  }
.LBB2_12:
0x1a6: {  	s23 =	sadd.s32 $0x80, s23;
	[tilespmem:s24+$0x270] =	vst.add.f32.msk $0xffff, v2;
	s24 =	sshra.s32 s10, $0x2  }
0x1a7: {  	v2 =	vld [tilespmem:s24+$0x14270];
	p1 =	slt.u32 s23, $0x780  }
0x1a8: {  	v3 =	vld [tilespmem:s24+$0x14200]  }
0x1a9: {  	v4 =	vld [tilespmem:s24+$0x14210]  }
0x1aa: {  	v5 =	vld [tilespmem:s24+$0x14220]  }
0x1ab: {  	v6 =	vld [tilespmem:s24+$0x14230]  }
0x1ac: {  	[tilespmem:s24+$0x4270] =	vst.add.f32.msk $0xffff, v2  }
0x1ad: {  	v7 =	vld [tilespmem:s24+$0x14240]  }
0x1ae: {  	v8 =	vld [tilespmem:s24+$0x14250]  }
0x1af: {  	v9 =	vld [tilespmem:s24+$0x14260]  }
0x1b0: {  	[tilespmem:s24+$0x200] =	vst.add.f32.msk $0xffff, v3  }
0x1b1: {  	[tilespmem:s24+$0x4200] =	vst.add.f32.msk $0xffff, v3  }
0x1b2: {  	[tilespmem:s24+$0x210] =	vst.add.f32.msk $0xffff, v4  }
0x1b3: {  	[tilespmem:s24+$0x4210] =	vst.add.f32.msk $0xffff, v4  }
0x1b4: {  	[tilespmem:s24+$0x220] =	vst.add.f32.msk $0xffff, v5  }
0x1b5: {  	[tilespmem:s24+$0x4220] =	vst.add.f32.msk $0xffff, v5  }
0x1b6: {  	[tilespmem:s24+$0x230] =	vst.add.f32.msk $0xffff, v6  }
0x1b7: {  	[tilespmem:s24+$0x4230] =	vst.add.f32.msk $0xffff, v6  }
0x1b8: {  	[tilespmem:s24+$0x240] =	vst.add.f32.msk $0xffff, v7  }
.Ltmp6:
0x1b9: {  	[tilespmem:s24+$0x4240] =	vst.add.f32.msk $0xffff, v7;
	(pc) =	sbr.rel @p1 .LBB2_12-.Ltmp6, $4  }
0x1ba: {  	[tilespmem:s24+$0x250] =	vst.add.f32.msk $0xffff, v8  }
0x1bb: {  	[tilespmem:s24+$0x4250] =	vst.add.f32.msk $0xffff, v8  }
0x1bc: {  	[tilespmem:s24+$0x260] =	vst.add.f32.msk $0xffff, v9  }
0x1bd: {  	s10 =	sadd.s32 $0x1000, s10;
	[tilespmem:s24+$0x4260] =	vst.add.f32.msk $0xffff, v9  }
0x1be: {  	s30 =	sadd.s32 $0x1, s30  }
0x1bf: {  	p1 =	sne.s32 s30, $0x8  }
.Ltmp7:
0x1c0: {  	_ = 	snop;
	(pc) =	sbr.rel @p1 .LBB2_11-.Ltmp7, $2  }
0x1c1: {  	_ =	sdelay $0x2  }
0x1c2: {  	[tilespmem:s24+$0x270] =	vst.add.f32.msk $0xffff, v2;
	s12 =	sadd.s32 $0x200, s12  }
0x1c3: {  	s10 =	sadd.s32 s20, s11  }
0x1c4: {  	s10 =	sshll.u32 s10, $0x8  }
0x1c5: {  	s30 =	rddreg [dreg:$0xe];
	s10 =	sadd.s32 s5, s10  }
0x1c6: {  	[hbm4b:s10+s6] =	stream.linear.scatter [tilespmem:s4], [sflag:$0x5], $0x4000, $0x38;
	[tilespmem:$0x18200] =	vst v63  }
0x1c7: {  	s10 =	sadd.s32 s30, s11  }
0x1c8: {  	s10 =	sshll.u32 s10, $0x8  }
0x1c9: {  	s10 =	sadd.s32 s5, s10  }
0x1ca: {  	[hbm4b:s10+s6] =	stream.linear.scatter [tilespmem:s21], [sflag:$0x6], $0x4000, $0x38;
	[tilespmem:$0x18200] =	vst v63  }
0x1cb: {  	_ =	swait.ge [sflag:s26], $0x4000  }
0x1cc: {  	[sflag:s26] =	ssyncset.done $0x0  }
0x1cd: {  	[sflag:s26] =	ssyncadd.s32 $0xFFFFC000  }
0x1ce: {  	_ =	swait.ge [sflag:s2], $0x4000  }
0x1cf: {  	[sflag:s2] =	ssyncset.done $0x0  }
0x1d0: {  	[sflag:s2] =	ssyncadd.s32 $0xFFFFC000  }
0x1d1: {  	_ =	swait.ge [sflag:s28], $0x4000  }
0x1d2: {  	[sflag:s28] =	ssyncset.done $0x0  }
0x1d3: {  	[sflag:s28] =	ssyncadd.s32 $0xFFFFC000  }
0x1d4: {  	_ =	swait.ge [sflag:s3], $0x4000  }
0x1d5: {  	[sflag:s3] =	ssyncset.done $0x0  }
0x1d6: {  	s0 =	sshll.u32 @!p0 s0, $0x3;
	[sflag:s3] =	ssyncadd.s32 $0xFFFFC000  }
0x1d7: {  	v2 =	vld.msk @!p0 [tilespmem:s0+$0x0], $0xff;
	_ =	sdelay $0x4  }
0x1d8: {  	v3 =	vshll.u32 @!p0 v2, $0x4  }
0x1d9: {  	v4 =	vlaneseq.u32 @!p0;
	v2 =	vand.u32 @!p0 $0x7, v2;
	v3 =	vand.u32 @!p0 $0xFFFFFF80, v3  }
0x1da: {  	v2 =	vor.u32 @!p0 v2, v3;
	v3 =	vand.u32 @!p0 $0x7, v4;
	v4 =	vshrl.u32 @!p0 v4, $0x3  }
0x1db: {  	v2 =	vperm.xlane @!p0 v2, v3;
	v4 =	vmul.u32 @!p0 $0x8, v4;
	_ =	sdelay $0x1  }
0x1dc: {  	v2 =	vadd.s32 @!p0 v4, v2;
	_ =	sdelay $0x3  }
0x1dd: {  	vm1 =	vmmov @!p0 $0xffff;
	s12 =	simm.s32 @!p0 $0x200;
	s10 =	simm.s32 @!p0 $0x0  }
0x1de: {  	[tilespmem:s12], [sflag:$0x1] =	stream.indirect_vreg.gather @!p0 [hbm4b:s1+s10], $0x80, v2, vm1, $0xb8;
	[tilespmem:$0x18200] =	vst v63  }
0x1df: {  	s12 =	simm.s32 @!p0 $0xA00  }
0x1e0: {  	[tilespmem:s12], [sflag:$0x1] =	stream.indirect_vreg.gather @!p0 [hbm4b:s13+s10], $0x80, v2, vm1, $0xb8;
	[tilespmem:$0x18200] =	vst v63  }
0x1e1: {  	s12 =	simm.s32 @!p0 $0x1200  }
0x1e2: {  	[tilespmem:s12], [sflag:$0x1] =	stream.indirect_vreg.gather @!p0 [hbm4b:s14+s10], $0x80, v2, vm1, $0xb8;
	[tilespmem:$0x18200] =	vst v63  }
0x1e3: {  	s12 =	simm.s32 @!p0 $0x1A00  }
0x1e4: {  	[tilespmem:s12], [sflag:$0x1] =	stream.indirect_vreg.gather @!p0 [hbm4b:s15+s10], $0x80, v2, vm1, $0xb8;
	[tilespmem:$0x18200] =	vst v63  }
0x1e5: {  	s12 =	simm.s32 @!p0 $0x2200  }
0x1e6: {  	[tilespmem:s12], [sflag:$0x1] =	stream.indirect_vreg.gather @!p0 [hbm4b:s16+s10], $0x80, v2, vm1, $0xb8;
	[tilespmem:$0x18200] =	vst v63  }
0x1e7: {  	s12 =	simm.s32 @!p0 $0x2A00  }
0x1e8: {  	[tilespmem:s12], [sflag:$0x1] =	stream.indirect_vreg.gather @!p0 [hbm4b:s17+s10], $0x80, v2, vm1, $0xb8;
	[tilespmem:$0x18200] =	vst v63  }
0x1e9: {  	s12 =	simm.s32 @!p0 $0x3200  }
0x1ea: {  	[tilespmem:s12], [sflag:$0x1] =	stream.indirect_vreg.gather @!p0 [hbm4b:s18+s10], $0x80, v2, vm1, $0xb8;
	[tilespmem:$0x18200] =	vst v63  }
0x1eb: {  	s12 =	simm.s32 @!p0 $0x3A00  }
0x1ec: {  	[tilespmem:s12], [sflag:$0x1] =	stream.indirect_vreg.gather @!p0 [hbm4b:s19+s10], $0x80, v2, vm1, $0xb8;
	[tilespmem:$0x18200] =	vst v63  }
0x1ed: {  	v2 =	vld.msk @!p0 [tilespmem:s0+$0x80], $0xff;
	_ =	sdelay $0x4  }
0x1ee: {  	v5 =	vshll.u32 @!p0 v2, $0x4  }
0x1ef: {  	v2 =	vand.u32 @!p0 $0x7, v2;
	v5 =	vand.u32 @!p0 $0xFFFFFF80, v5  }
0x1f0: {  	v2 =	vor.u32 @!p0 v2, v5  }
0x1f1: {  	v2 =	vperm.xlane @!p0 v2, v3;
	_ =	sdelay $0x1  }
0x1f2: {  	v2 =	vadd.s32 @!p0 v4, v2;
	_ =	sdelay $0x3  }
0x1f3: {  	s0 =	simm.s32 @!p0 $0x4200  }
0x1f4: {  	[tilespmem:s0], [sflag:$0x2] =	stream.indirect_vreg.gather @!p0 [hbm4b:s1+s10], $0x80, v2, vm1, $0xb8;
	[tilespmem:$0x18200] =	vst v63  }
0x1f5: {  	s0 =	simm.s32 @!p0 $0x4A00  }
0x1f6: {  	[tilespmem:s0], [sflag:$0x2] =	stream.indirect_vreg.gather @!p0 [hbm4b:s13+s10], $0x80, v2, vm1, $0xb8;
	[tilespmem:$0x18200] =	vst v63  }
0x1f7: {  	s0 =	simm.s32 @!p0 $0x5200  }
0x1f8: {  	[tilespmem:s0], [sflag:$0x2] =	stream.indirect_vreg.gather @!p0 [hbm4b:s14+s10], $0x80, v2, vm1, $0xb8;
	[tilespmem:$0x18200] =	vst v63  }
0x1f9: {  	s0 =	simm.s32 @!p0 $0x5A00  }
0x1fa: {  	[tilespmem:s0], [sflag:$0x2] =	stream.indirect_vreg.gather @!p0 [hbm4b:s15+s10], $0x80, v2, vm1, $0xb8;
	[tilespmem:$0x18200] =	vst v63  }
0x1fb: {  	s0 =	simm.s32 @!p0 $0x6200  }
0x1fc: {  	[tilespmem:s0], [sflag:$0x2] =	stream.indirect_vreg.gather @!p0 [hbm4b:s16+s10], $0x80, v2, vm1, $0xb8;
	[tilespmem:$0x18200] =	vst v63  }
0x1fd: {  	s0 =	simm.s32 @!p0 $0x6A00  }
0x1fe: {  	[tilespmem:s0], [sflag:$0x2] =	stream.indirect_vreg.gather @!p0 [hbm4b:s17+s10], $0x80, v2, vm1, $0xb8;
	[tilespmem:$0x18200] =	vst v63  }
0x1ff: {  	s0 =	simm.s32 @!p0 $0x7200  }
0x200: {  	[tilespmem:s0], [sflag:$0x2] =	stream.indirect_vreg.gather @!p0 [hbm4b:s18+s10], $0x80, v2, vm1, $0xb8;
	[tilespmem:$0x18200] =	vst v63  }
0x201: {  	s0 =	simm.s32 @!p0 $0x7A00  }
0x202: {  	[tilespmem:s0], [sflag:$0x2] =	stream.indirect_vreg.gather @!p0 [hbm4b:s19+s10], $0x80, v2, vm1, $0xb8;
	[tilespmem:$0x18200] =	vst v63  }
0x203: {  	s12 =	simm.s32 $0x0;
	s0 =	simm.s32 $0x0  }
.LBB2_15:
0x204: {  	s24 =	sshra.s32 s0, $0x2  }
0x205: {  	v2 =	vld [tilespmem:s24+$0x14270]  }
0x206: {  	v3 =	vld [tilespmem:s24+$0x14200]  }
0x207: {  	v4 =	vld [tilespmem:s24+$0x14210]  }
0x208: {  	v5 =	vld [tilespmem:s24+$0x14220]  }
0x209: {  	v6 =	vld [tilespmem:s24+$0x14230]  }
0x20a: {  	v7 =	vld [tilespmem:s24+$0x14240]  }
0x20b: {  	v8 =	vld [tilespmem:s24+$0x14250]  }
0x20c: {  	v9 =	vld [tilespmem:s24+$0x14260]  }
0x20d: {  	[tilespmem:s24+$0xC270] =	vst.add.f32.msk $0xffff, v2  }
0x20e: {  	[tilespmem:s24+$0x8200] =	vst.add.f32.msk $0xffff, v3  }
0x20f: {  	[tilespmem:s24+$0xC200] =	vst.add.f32.msk $0xffff, v3  }
0x210: {  	[tilespmem:s24+$0x8210] =	vst.add.f32.msk $0xffff, v4  }
0x211: {  	[tilespmem:s24+$0xC210] =	vst.add.f32.msk $0xffff, v4  }
0x212: {  	[tilespmem:s24+$0x8220] =	vst.add.f32.msk $0xffff, v5  }
0x213: {  	[tilespmem:s24+$0xC220] =	vst.add.f32.msk $0xffff, v5  }
0x214: {  	[tilespmem:s24+$0x8230] =	vst.add.f32.msk $0xffff, v6  }
0x215: {  	[tilespmem:s24+$0xC230] =	vst.add.f32.msk $0xffff, v6  }
0x216: {  	[tilespmem:s24+$0x8240] =	vst.add.f32.msk $0xffff, v7  }
0x217: {  	[tilespmem:s24+$0xC240] =	vst.add.f32.msk $0xffff, v7  }
0x218: {  	[tilespmem:s24+$0x8250] =	vst.add.f32.msk $0xffff, v8  }
0x219: {  	[tilespmem:s24+$0xC250] =	vst.add.f32.msk $0xffff, v8  }
0x21a: {  	[tilespmem:s24+$0x8260] =	vst.add.f32.msk $0xffff, v9  }
0x21b: {  	s23 =	simm.s32 $0x0;
	s10 =	sadd.s32 $0x1000, s0;
	[tilespmem:s24+$0xC260] =	vst.add.f32.msk $0xffff, v9  }
.LBB2_16:
0x21c: {  	s23 =	sadd.s32 $0x80, s23;
	[tilespmem:s24+$0x8270] =	vst.add.f32.msk $0xffff, v2;
	s24 =	sshra.s32 s10, $0x2  }
0x21d: {  	v2 =	vld [tilespmem:s24+$0x14270];
	p1 =	slt.u32 s23, $0x780  }
0x21e: {  	v3 =	vld [tilespmem:s24+$0x14200]  }
0x21f: {  	v4 =	vld [tilespmem:s24+$0x14210]  }
0x220: {  	v5 =	vld [tilespmem:s24+$0x14220]  }
0x221: {  	v6 =	vld [tilespmem:s24+$0x14230]  }
0x222: {  	[tilespmem:s24+$0xC270] =	vst.add.f32.msk $0xffff, v2  }
0x223: {  	v7 =	vld [tilespmem:s24+$0x14240]  }
0x224: {  	v8 =	vld [tilespmem:s24+$0x14250]  }
0x225: {  	v9 =	vld [tilespmem:s24+$0x14260]  }
0x226: {  	[tilespmem:s24+$0x8200] =	vst.add.f32.msk $0xffff, v3  }
0x227: {  	[tilespmem:s24+$0xC200] =	vst.add.f32.msk $0xffff, v3  }
0x228: {  	[tilespmem:s24+$0x8210] =	vst.add.f32.msk $0xffff, v4  }
0x229: {  	[tilespmem:s24+$0xC210] =	vst.add.f32.msk $0xffff, v4  }
0x22a: {  	[tilespmem:s24+$0x8220] =	vst.add.f32.msk $0xffff, v5  }
0x22b: {  	[tilespmem:s24+$0xC220] =	vst.add.f32.msk $0xffff, v5  }
0x22c: {  	[tilespmem:s24+$0x8230] =	vst.add.f32.msk $0xffff, v6  }
0x22d: {  	[tilespmem:s24+$0xC230] =	vst.add.f32.msk $0xffff, v6  }
0x22e: {  	[tilespmem:s24+$0x8240] =	vst.add.f32.msk $0xffff, v7  }
.Ltmp8:
0x22f: {  	[tilespmem:s24+$0xC240] =	vst.add.f32.msk $0xffff, v7;
	(pc) =	sbr.rel @p1 .LBB2_16-.Ltmp8, $4  }
0x230: {  	[tilespmem:s24+$0x8250] =	vst.add.f32.msk $0xffff, v8  }
0x231: {  	[tilespmem:s24+$0xC250] =	vst.add.f32.msk $0xffff, v8  }
0x232: {  	[tilespmem:s24+$0x8260] =	vst.add.f32.msk $0xffff, v9  }
0x233: {  	s10 =	sadd.s32 $0x1000, s10;
	[tilespmem:s24+$0xC260] =	vst.add.f32.msk $0xffff, v9  }
0x234: {  	s12 =	sadd.s32 $0x1, s12  }
0x235: {  	p1 =	sne.s32 s12, $0x8  }
.Ltmp9:
0x236: {  	_ = 	snop;
	(pc) =	sbr.rel @p1 .LBB2_15-.Ltmp9, $2  }
0x237: {  	_ =	sdelay $0x2  }
0x238: {  	[tilespmem:s24+$0x8270] =	vst.add.f32.msk $0xffff, v2;
	s0 =	sadd.s32 $0x200, s0  }
0x239: {  	s0 =	rddreg [dreg:$0xf]  }
0x23a: {  	s0 =	sadd.s32 s0, s11  }
0x23b: {  	s0 =	sshll.u32 s0, $0x8  }
.Ltmp10:
0x23c: {  	s30 =	sadd.s32 s22, s11;
	s0 =	sadd.s32 s5, s0;
	(pc) =	sbr.rel @p0 .LBB2_20-.Ltmp10, $4  }
0x23d: {  	[hbm4b:s0+s6] =	stream.linear.scatter [tilespmem:s9], [sflag:$0x7], $0x4000, $0x38;
	[tilespmem:$0x18200] =	vst v63  }
0x23e: {  	s0 =	sshll.u32 s30, $0x8  }
0x23f: {  	s0 =	sadd.s32 s5, s0  }
0x240: {  	[hbm4b:s0+s6] =	stream.linear.scatter [tilespmem:s29], [sflag:$0x8], $0x4000, $0x38;
	[tilespmem:$0x18200] =	vst v63  }
.Ltmp11:
0x241: {  	s0 =	rddreg [dreg:$0xc];
	(pc) =	sbr.rel .LBB2_2-.Ltmp11, $4  }
0x242: {  	s0 =	sadd.s32 s25, s0  }
0x243: {  	s10 =	rddreg [dreg:$0x2];
	s0 =	sshll.u32 s0, $0xB  }
0x244: {  	s30 =	simm.s32 $0x14200;
	s7 =	sadd.s32 $0x1, s7;
	s0 =	sadd.s32 s10, s0  }
0x245: {  	[tilespmem:s30], [sflag:$0xA] =	stream.linear.gather [hbm4b:s0+s6], $0x4000, $0x38;
	[tilespmem:$0x18200] =	vst v63  }
.LBB2_21:
0x246: {  	_ =	sfence.sel $0x180000  }
0x247: {  	[bflag:$0x0] =	sbarrier.arrive $0xFFFF  }
0x248: {  	_ =	strace $0x90000047  }
0x249: {  	s0 =	stileid.u32;
	[bflag:$0x2] =	sbarrier.arrive $0xFFFF  }
0x24a: {  	p0 =	sne.s32 s0, $0x0;
	s0 =	rddreg [dreg:$0x4]  }
0x24b: {  	s0 =	sadd.s32 @!p0 $0x100000, s0  }
0x24c: {  	[sflag:s0] =	ssyncadd.tile.s32 @!p0 $0x1;
	_ =	shalt  }
.Lfunc_end2:
_tile_overlayer_lowered:
.L_overlay_start_2:
0x24d: {  	(tag) =	ssettag $0x2  }
0x24e: {  	s0 =	rddreg [dreg:$0x0];
	s2 =	stileid.u32  }
0x24f: {  	s1 =	rddreg [dreg:$0x1];
	p0 =	sne.s32 s2, $0x0  }
0x250: {  	s3 =	rddreg [dreg:$0x2];
	[bflag:$0x3] =	sbarrier.arrive $0xFFFF;
	s2 =	simm.s32 @!p0 $0x1C0B  }
0x251: {  	[timem:s3], [sflag:s2] =	dma.local @!p0 [hbm:s0], s1  }
0x252: {  	s0 =	simm.s32 @!p0 $0xB  }
0x253: {  	_ =	swait.ge @!p0 [sflag:s0], s1  }
0x254: {  	s1 =	ssub.s32 @!p0 $0x0, s1;
	[sflag:s0] =	ssyncset.done @!p0 $0x0  }
0x255: {  	[sflag:s0] =	ssyncadd.s32 @!p0 s1  }
0x256: {  	[bflag:$0x3] =	sbarrier.arrive $0xFFFF  }
0x257: {  	_ =	shalt  }

</sc_bundles>
